<compile_context>
chip_gen: v7x
topology: tpu7x:2x2x1
jax: 0.10.2.dev20260603
libtpu: 0.0.44.dev20260713+nightly
codegen_flags: <defaults>
</compile_context>

<pallas_src>
import functools

import jax
import jax.numpy as jnp
from jax import lax
from jax.experimental import pallas as pl
from jax.experimental.pallas import tpu as pltpu
from jax.experimental.pallas import tpu_sc as plsc

N = 10000
D = 128
E = 320000
SLOPE = 0.2

NT = 32
EPT = E // NT
N_PAD = 10240
LANES = 16
TW = 4
NPT = 320
EW = 10112


def _proj_body(nodes_ref, wT_ref, wb_ref, v_ref, brow_ref, out_ref):
    pv = jnp.dot(wT_ref[...], v_ref[...], preferred_element_type=jnp.float32)
    pb = jnp.dot(wb_ref[...], v_ref[...], preferred_element_type=jnp.float32)
    scal = (
        jnp.dot(nodes_ref[...], pv, preferred_element_type=jnp.float32)
        + pb + brow_ref[...]
    )
    out_ref[...] = scal.T


def _project(nodes, wT, wb_row, vmat, brow):
    blk = 10000
    return pl.pallas_call(
        _proj_body,
        grid=(N // blk,),
        in_specs=[
            pl.BlockSpec((blk, D), lambda i: (i, 0)),
            pl.BlockSpec((D, D), lambda i: (0, 0)),
            pl.BlockSpec((1, D), lambda i: (0, 0)),
            pl.BlockSpec((D, TW), lambda i: (0, 0)),
            pl.BlockSpec((1, TW), lambda i: (0, 0)),
        ],
        out_specs=pl.BlockSpec((TW, blk), lambda i: (0, i)),
        out_shape=jax.ShapeDtypeStruct((TW, N), jnp.float32),
    )(nodes, wT, wb_row, vmat, brow)


def _edge_body(tab_hbm, edge_hbm, num_out, den_out,
               tab_v, edge_v, num_v, den_v, sems):
    nc = 2
    wid = lax.axis_index("s") * nc + lax.axis_index("c")
    base = wid * EPT
    abase = base // 128 * 128
    delta = base - abase
    cp_tab = pltpu.async_copy(tab_hbm, tab_v, sems.at[0])
    cp_edge = pltpu.async_copy(edge_hbm.at[:, pl.ds(abase, EW)], edge_v, sems.at[1])

    zeros = jnp.zeros((LANES,), jnp.float32)

    @plsc.parallel_loop(0, N_PAD, LANES, unroll=8)
    def zero_body(off):
        num_v[pl.ds(off, LANES)] = zeros
        den_v[pl.ds(off, LANES)] = zeros

    cp_tab.wait()
    cp_edge.wait()

    @plsc.parallel_loop(0, EPT, LANES, unroll=25)
    def edge_body(off):
        sv = edge_v[0, pl.ds(delta + off, LANES)]
        dvn = edge_v[1, pl.ds(delta + off, LANES)]
        ad = plsc.load_gather(tab_v, [dvn])
        asv = plsc.load_gather(tab_v, [sv + N])
        ssv = plsc.load_gather(tab_v, [sv + 2 * N])
        t = ad + asv
        t = jnp.where(t >= 0.0, t, t * SLOPE)
        e = jnp.exp(t)
        plsc.addupdate_scatter(den_v, [dvn], e)
        plsc.addupdate_scatter(num_v, [dvn], e * ssv)

    nbase = wid * NPT
    cnt = jnp.where(wid == NT - 1, (N - (NT - 1) * NPT) // LANES, NPT // LANES)

    def loop_body(k, c):
        off = nbase + k * LANES
        idx = off + lax.iota(jnp.int32, LANES)
        ad = plsc.load_gather(tab_v, [idx])
        asv = plsc.load_gather(tab_v, [idx + N])
        ssv = plsc.load_gather(tab_v, [idx + 2 * N])
        t = ad + asv
        t = jnp.where(t >= 0.0, t, t * SLOPE)
        e = jnp.exp(t)
        sl = pl.ds(off, LANES)
        den_v[sl] = den_v[sl] + e
        num_v[sl] = num_v[sl] + e * ssv
        return c

    lax.fori_loop(0, cnt, loop_body, 0, unroll=False)

    pltpu.sync_copy(num_v, num_out.at[wid])
    pltpu.sync_copy(den_v, den_out.at[wid])


@functools.partial(
    pl.kernel,
    mesh=plsc.VectorSubcoreMesh(core_axis_name="c", subcore_axis_name="s"),
    compiler_params=pltpu.CompilerParams(needs_layout_passes=False),
    out_type=[
        jax.ShapeDtypeStruct((NT, N_PAD), jnp.float32),
        jax.ShapeDtypeStruct((NT, N_PAD), jnp.float32),
    ],
    scratch_types=[
        pltpu.VMEM((N * TW,), jnp.float32),
        pltpu.VMEM((2, EW), jnp.int32),
        pltpu.VMEM((N_PAD,), jnp.float32),
        pltpu.VMEM((N_PAD,), jnp.float32),
        pltpu.SemaphoreType.DMA((2,)),
    ],
)
def _edge_kernel(tab, edge, num_out, den_out,
                 tab_v, edge_v, num_v, den_v, sems):
    _edge_body(tab, edge, num_out, den_out,
               tab_v, edge_v, num_v, den_v, sems)


def _finalize_body(num_ref, den_ref, out_ref):
    ns = jnp.sum(num_ref[...], axis=0)
    ds = jnp.sum(den_ref[...], axis=0)
    r = ns / ds
    out_ref[...] = jnp.broadcast_to(r[:N][:, None], out_ref.shape)


def _finalize(num_part, den_part):
    return pl.pallas_call(
        _finalize_body,
        in_specs=[
            pl.BlockSpec((NT, N_PAD), lambda: (0, 0)),
            pl.BlockSpec((NT, N_PAD), lambda: (0, 0)),
        ],
        out_specs=pl.BlockSpec((N, D), lambda: (0, 0)),
        out_shape=jax.ShapeDtypeStruct((N, D), jnp.float32),
    )(num_part, den_part)


def kernel(nodes, edge_index, w_w, w_b, a_w, a_b):
    a1 = a_w[0, :D]
    a2 = a_w[0, D:]
    vmat = jnp.zeros((D, TW), jnp.float32)
    vmat = vmat.at[:, 0].set(a1).at[:, 1].set(a2).at[:, 2].set(1.0)
    brow = jnp.zeros((1, TW), jnp.float32).at[0, 1].set(a_b[0])

    scal_t = _project(nodes, w_w.T, w_b[None, :], vmat, brow)
    tab = scal_t.reshape(TW * N)

    num_part, den_part = _edge_kernel(tab, edge_index)
    return _finalize(num_part, den_part)

# --- scband reference (transcript-rebuilt; emitter-appended) ---
"""Pipeline reference for scband-graph-attention-head-18090402250828 (READ-ONLY COPY).

The authoritative reference and input builder live on the scoring server;
editing this copy changes nothing except your own understanding.
"""

import jax, jax.numpy as jnp
import numpy as np

N = 10000
E = 320000
D_IN = 128
D_OUT = 128
SLOPE = 0.2


def setup_inputs(seed: int = 0) -> dict:
    key = jax.random.key(seed)
    k1, k2, k3, k4 = jax.random.split(key, 4)
    nodes = jax.random.normal(k1, (N, D_IN), dtype=jnp.float32)
    edge_index = jax.random.randint(k2, (2, E), 0, N, dtype=jnp.int32)
    # learned params of the module: self.w = Linear(D_IN, D_OUT), self.a = Linear(2*D_OUT, 1)
    w_w = jax.random.normal(k3, (D_OUT, D_IN), dtype=jnp.float32) * 0.05
    w_b = jnp.zeros((D_OUT,), dtype=jnp.float32)
    a_w = jax.random.normal(k4, (1, 2 * D_OUT), dtype=jnp.float32) * 0.05
    a_b = jnp.zeros((1,), dtype=jnp.float32)
    return {"nodes": nodes, "edge_index": edge_index, "w_w": w_w, "w_b": w_b, "a_w": a_w, "a_b": a_b}


def reference(nodes, edge_index, w_w, w_b, a_w, a_b):
    # h = W(nodes)
    h = nodes @ w_w.T + w_b
    n = h.shape[0]
    # the torch loop appends the current node to its own neighbor list (self-loop)
    loops = jnp.arange(n, dtype=edge_index.dtype)
    src = jnp.concatenate([edge_index[0], loops])  # neighbor j
    dst = jnp.concatenate([edge_index[1], loops])  # current node i
    h_dst = h[dst]
    h_src = h[src]
    # _get_top: exp(LeakyReLU(a(cat(h_i, h_j))))
    cat = jnp.concatenate([h_dst, h_src], axis=-1)
    logit = cat @ a_w.T + a_b  # [E', 1]
    e = jnp.exp(jax.nn.leaky_relu(logit, negative_slope=SLOPE))  # [E', 1]
    # _get_new_node_info: bottom = sum(top_list); x = stack(top*h_j)/bottom; return sum(x)
    denom = jax.ops.segment_sum(e[:, 0], dst, num_segments=n)  # [N]
    msg = e * h_src  # [E', D_OUT]
    agg = jax.ops.segment_sum(msg, dst, num_segments=n)  # [N, D_OUT]
    agg = agg / denom[:, None]
    # torch.sum(x) sums over neighbors AND feature dim -> scalar per node,
    # then new_nodes[i] = scalar broadcasts across the row
    row_scalar = jnp.sum(agg, axis=-1)  # [N]
    new_nodes = jnp.broadcast_to(row_scalar[:, None], h.shape)
    return new_nodes

if __name__ == "__main__":
    import jax
    _d = setup_inputs()
    print(jax.jit(kernel)(*tuple(_d.values())))

</pallas_src>

<mosaic_0001>
#map = affine_map<(d0, d1) -> (0)>
#map1 = affine_map<(d0, d1) -> (0, 0)>
module attributes {stable_mosaic.version = 14 : i64} {
  func.func @_edge_kernel(%arg0: i32, %arg1: i32, %arg2: memref<40000xf32, #tpu.memory_space<hbm>>, %arg3: memref<2x320000xi32, #tpu.memory_space<hbm>>, %arg4: memref<32x10240xf32, #tpu.memory_space<hbm>>, %arg5: memref<32x10240xf32, #tpu.memory_space<hbm>>, %arg6: memref<40000xf32, #tpu.memory_space<vmem>>, %arg7: memref<2x10112xi32, #tpu.memory_space<vmem>>, %arg8: memref<10240xf32, #tpu.memory_space<vmem>>, %arg9: memref<10240xf32, #tpu.memory_space<vmem>>, %arg10: memref<2x!tpu.dma_semaphore, #tpu.memory_space<semaphore_mem>>) attributes {dimension_semantics = [#tpu.dimension_semantics<core_parallel>, #tpu.dimension_semantics<subcore_parallel>], iteration_bounds = array<i64: 2, 16>, scalar_prefetch = 0 : i64, scratch_operands = 5 : i64, tpu.core_type = #tpu.core_type<sc_vector_subcore>, window_params = [{transform_indices = #map}, {transform_indices = #map1}, {transform_indices = #map1}, {transform_indices = #map1}]} {
    %mul3A = arith.constant 2 : i32
    %mul3A_0 = arith.muli %arg1, %mul3A : i32
    %add3A = arith.addi %mul3A_0, %arg0 : i32
    %mul3A_1 = arith.constant 10000 : i32
    %mul3A_2 = arith.muli %add3A, %mul3A_1 : i32
    %jit3A = arith.constant 128 : i32
    %div3A = arith.divsi %mul3A_2, %jit3A : i32
    %sign3A = arith.constant 0 : i32
    %sign3A_3 = arith.cmpi sgt, %mul3A_2, %sign3A : i32
    %sign3A_4 = arith.extui %sign3A_3 : i1 to i32
    %sign3A_5 = arith.constant 0 : i32
    %sign3A_6 = arith.cmpi slt, %mul3A_2, %sign3A_5 : i32
    %sign3A_7 = arith.extui %sign3A_6 : i1 to i32
    %sign3A_8 = arith.subi %sign3A_4, %sign3A_7 : i32
    %sign3A_9 = arith.constant 0 : i32
    %sign3A_10 = arith.cmpi sgt, %jit3A, %sign3A_9 : i32
    %sign3A_11 = arith.extui %sign3A_10 : i1 to i32
    %sign3A_12 = arith.constant 0 : i32
    %sign3A_13 = arith.cmpi slt, %jit3A, %sign3A_12 : i32
    %sign3A_14 = arith.extui %sign3A_13 : i1 to i32
    %sign3A_15 = arith.subi %sign3A_11, %sign3A_14 : i32
    %ne3A = arith.cmpi ne, %sign3A_8, %sign3A_15 : i32
    %rem3A = arith.remsi %mul3A_2, %jit3A : i32
    %ne3A_16 = arith.constant 0 : i32
    %ne3A_17 = arith.cmpi ne, %rem3A, %ne3A_16 : i32
    %and3A = arith.andi %ne3A, %ne3A_17 : i1
    %sub3A = arith.constant 1 : i32
    %sub3A_18 = arith.subi %div3A, %sub3A : i32
    %select_n3A = arith.select %and3A, %sub3A_18, %div3A : i32
    %mul3A_19 = arith.constant 128 : i32
    %mul3A_20 = arith.muli %select_n3A, %mul3A_19 : i32
    %sub3A_21 = arith.subi %mul3A_2, %mul3A_20 : i32
    %dma_start3A = arith.constant 0 : i32
    %dma_start3A_22 = tpu.memref_slice %arg10[%dma_start3A] : memref<2x!tpu.dma_semaphore, #tpu.memory_space<semaphore_mem>> -> memref<1x!tpu.dma_semaphore, #tpu.memory_space<semaphore_mem>>
    %dma_start3A_23 = tpu.memref_squeeze %dma_start3A_22 : memref<1x!tpu.dma_semaphore, #tpu.memory_space<semaphore_mem>> -> memref<!tpu.dma_semaphore, #tpu.memory_space<semaphore_mem>>
    tpu.enqueue_dma source(%arg2 : memref<40000xf32, #tpu.memory_space<hbm>>) target(%arg6 : memref<40000xf32, #tpu.memory_space<vmem>>) target_semaphore(%dma_start3A_23 : memref<!tpu.dma_semaphore, #tpu.memory_space<semaphore_mem>>)
    %dma_start3A_24 = arith.constant 1 : i32
    %dma_start3A_25 = arith.constant 0 : i32
    %dma_start3A_26 = tpu.memref_slice %arg3[%dma_start3A_25, %mul3A_20] : memref<2x320000xi32, #tpu.memory_space<hbm>> -> memref<2x10112xi32, #tpu.memory_space<hbm>>
    %dma_start3A_27 = tpu.memref_slice %arg10[%dma_start3A_24] : memref<2x!tpu.dma_semaphore, #tpu.memory_space<semaphore_mem>> -> memref<1x!tpu.dma_semaphore, #tpu.memory_space<semaphore_mem>>
    %dma_start3A_28 = tpu.memref_squeeze %dma_start3A_27 : memref<1x!tpu.dma_semaphore, #tpu.memory_space<semaphore_mem>> -> memref<!tpu.dma_semaphore, #tpu.memory_space<semaphore_mem>>
    %dma_start3A_29 = arith.constant 0 : i32
    %dma_start3A_30 = tpu.memref_slice %arg3[%dma_start3A_29, %mul3A_20] : memref<2x320000xi32, #tpu.memory_space<hbm>> -> memref<2x10112xi32, #tpu.memory_space<hbm>>
    tpu.enqueue_dma source(%dma_start3A_30 : memref<2x10112xi32, #tpu.memory_space<hbm>>) target(%arg7 : memref<2x10112xi32, #tpu.memory_space<vmem>>) target_semaphore(%dma_start3A_28 : memref<!tpu.dma_semaphore, #tpu.memory_space<semaphore_mem>>)
    %broadcast_in_dim3A = arith.constant 0.000000e+00 : f32
    %broadcast_in_dim3A_31 = vector.broadcast %broadcast_in_dim3A : f32 to vector<16xf32>
    %parallel_loop3A = arith.constant 0 : i32
    %parallel_loop3A_32 = arith.constant 10240 : i32
    %parallel_loop3A_33 = arith.constant 16 : i32
    scf.for %parallel_loop3A_61 = %parallel_loop3A to %parallel_loop3A_32 step %parallel_loop3A_33  : i32 {
      %parallel_loop3A_62 = arith.index_cast %parallel_loop3A_61 : i32 to index
      %parallel_loop3A_63 = tpu.vector_load %arg8[%parallel_loop3A_62] {strides = array<i32>} : memref<10240xf32, #tpu.memory_space<vmem>>, vector<16xf32>,
      tpu.vector_store %arg8[%parallel_loop3A_62], %broadcast_in_dim3A_31 {strides = array<i32>} : memref<10240xf32, #tpu.memory_space<vmem>>, vector<16xf32>,
      %parallel_loop3A_64 = arith.index_cast %parallel_loop3A_61 : i32 to index
      %parallel_loop3A_65 = tpu.vector_load %arg9[%parallel_loop3A_64] {strides = array<i32>} : memref<10240xf32, #tpu.memory_space<vmem>>, vector<16xf32>,
      tpu.vector_store %arg9[%parallel_loop3A_64], %broadcast_in_dim3A_31 {strides = array<i32>} : memref<10240xf32, #tpu.memory_space<vmem>>, vector<16xf32>,
    } {sc.loop_unroll_factor = 8 : i64, sc.parallel_access}
    %dma_wait3A = arith.constant 0 : i32
    %dma_wait3A_34 = tpu.memref_slice %arg10[%dma_wait3A] : memref<2x!tpu.dma_semaphore, #tpu.memory_space<semaphore_mem>> -> memref<1x!tpu.dma_semaphore, #tpu.memory_space<semaphore_mem>>
    %dma_wait3A_35 = tpu.memref_squeeze %dma_wait3A_34 : memref<1x!tpu.dma_semaphore, #tpu.memory_space<semaphore_mem>> -> memref<!tpu.dma_semaphore, #tpu.memory_space<semaphore_mem>>
    tpu.wait_dma2 semaphore(%dma_wait3A_35 : memref<!tpu.dma_semaphore, #tpu.memory_space<semaphore_mem>>) src(%arg2 : memref<40000xf32, #tpu.memory_space<hbm>>) dst(%arg6 : memref<40000xf32, #tpu.memory_space<vmem>>)
    %dma_wait3A_36 = arith.constant 1 : i32
    %dma_wait3A_37 = arith.constant 0 : i32
    %dma_wait3A_38 = tpu.memref_slice %arg3[%dma_wait3A_37, %mul3A_20] : memref<2x320000xi32, #tpu.memory_space<hbm>> -> memref<2x10112xi32, #tpu.memory_space<hbm>>
    %dma_wait3A_39 = tpu.memref_slice %arg10[%dma_wait3A_36] : memref<2x!tpu.dma_semaphore, #tpu.memory_space<semaphore_mem>> -> memref<1x!tpu.dma_semaphore, #tpu.memory_space<semaphore_mem>>
    %dma_wait3A_40 = tpu.memref_squeeze %dma_wait3A_39 : memref<1x!tpu.dma_semaphore, #tpu.memory_space<semaphore_mem>> -> memref<!tpu.dma_semaphore, #tpu.memory_space<semaphore_mem>>
    %dma_wait3A_41 = arith.constant 0 : i32
    %dma_wait3A_42 = tpu.memref_slice %arg3[%dma_wait3A_41, %mul3A_20] : memref<2x320000xi32, #tpu.memory_space<hbm>> -> memref<2x10112xi32, #tpu.memory_space<hbm>>
    tpu.wait_dma2 semaphore(%dma_wait3A_40 : memref<!tpu.dma_semaphore, #tpu.memory_space<semaphore_mem>>) src(%dma_wait3A_42 : memref<2x10112xi32, #tpu.memory_space<hbm>>) dst(%arg7 : memref<2x10112xi32, #tpu.memory_space<vmem>>)
    %parallel_loop3A_43 = arith.constant 0 : i32
    %parallel_loop3A_44 = arith.constant 10000 : i32
    %parallel_loop3A_45 = arith.constant 16 : i32
    scf.for %parallel_loop3A_61 = %parallel_loop3A_43 to %parallel_loop3A_44 step %parallel_loop3A_45  : i32 {
      %parallel_loop3A_62 = arith.addi %sub3A_21, %parallel_loop3A_61 : i32
      %parallel_loop3A_63 = arith.constant 0 : i32
      %parallel_loop3A_64 = arith.index_cast %parallel_loop3A_63 : i32 to index
      %parallel_loop3A_65 = arith.index_cast %parallel_loop3A_62 : i32 to index
      %parallel_loop3A_66 = tpu.vector_load %arg7[%parallel_loop3A_64, %parallel_loop3A_65] {strides = array<i32>} : memref<2x10112xi32, #tpu.memory_space<vmem>>, vector<16xi32>,
      %parallel_loop3A_67 = arith.addi %sub3A_21, %parallel_loop3A_61 : i32
      %parallel_loop3A_68 = arith.constant 1 : i32
      %parallel_loop3A_69 = arith.index_cast %parallel_loop3A_68 : i32 to index
      %parallel_loop3A_70 = arith.index_cast %parallel_loop3A_67 : i32 to index
      %parallel_loop3A_71 = tpu.vector_load %arg7[%parallel_loop3A_69, %parallel_loop3A_70] {strides = array<i32>} : memref<2x10112xi32, #tpu.memory_space<vmem>>, vector<16xi32>,
      %parallel_loop3A_72 = tpu.vector_load_idx %arg6[%parallel_loop3A_71] : memref<40000xf32, #tpu.memory_space<vmem>>[vector<16xi32>], vector<16xf32>,
      %parallel_loop3A_73 = arith.constant 10000 : i32
      %parallel_loop3A_74 = vector.broadcast %parallel_loop3A_73 : i32 to vector<16xi32>
      %parallel_loop3A_75 = arith.addi %parallel_loop3A_66, %parallel_loop3A_74 : vector<16xi32>
      %parallel_loop3A_76 = tpu.vector_load_idx %arg6[%parallel_loop3A_75] : memref<40000xf32, #tpu.memory_space<vmem>>[vector<16xi32>], vector<16xf32>,
      %parallel_loop3A_77 = arith.constant 20000 : i32
      %parallel_loop3A_78 = vector.broadcast %parallel_loop3A_77 : i32 to vector<16xi32>
      %parallel_loop3A_79 = arith.addi %parallel_loop3A_66, %parallel_loop3A_78 : vector<16xi32>
      %parallel_loop3A_80 = tpu.vector_load_idx %arg6[%parallel_loop3A_79] : memref<40000xf32, #tpu.memory_space<vmem>>[vector<16xi32>], vector<16xf32>,
      %parallel_loop3A_81 = arith.addf %parallel_loop3A_72, %parallel_loop3A_76 : vector<16xf32>
      %parallel_loop3A_82 = arith.constant 0.000000e+00 : f32
      %parallel_loop3A_83 = vector.broadcast %parallel_loop3A_82 : f32 to vector<16xf32>
      %parallel_loop3A_84 = arith.cmpf oge, %parallel_loop3A_81, %parallel_loop3A_83 : vector<16xf32>
      %parallel_loop3A_85 = arith.constant 2.000000e-01 : f32
      %parallel_loop3A_86 = vector.broadcast %parallel_loop3A_85 : f32 to vector<16xf32>
      %parallel_loop3A_87 = arith.mulf %parallel_loop3A_81, %parallel_loop3A_86 : vector<16xf32>
      %parallel_loop3A_88 = arith.select %parallel_loop3A_84, %parallel_loop3A_81, %parallel_loop3A_87 : vector<16xi1>, vector<16xf32>
      %parallel_loop3A_89 = math.exp %parallel_loop3A_88 : vector<16xf32>
      tpu.vector_store_idx %arg9[%parallel_loop3A_71], %parallel_loop3A_89 {add = true} : memref<10240xf32, #tpu.memory_space<vmem>>[vector<16xi32>], vector<16xf32>,
      %parallel_loop3A_90 = arith.mulf %parallel_loop3A_89, %parallel_loop3A_80 : vector<16xf32>
      tpu.vector_store_idx %arg8[%parallel_loop3A_71], %parallel_loop3A_90 {add = true} : memref<10240xf32, #tpu.memory_space<vmem>>[vector<16xi32>], vector<16xf32>,
    } {sc.loop_unroll_factor = 25 : i64, sc.parallel_access}
    %mul3A_46 = arith.constant 320 : i32
    %mul3A_47 = arith.muli %add3A, %mul3A_46 : i32
    %eq3A = arith.constant 31 : i32
    %eq3A_48 = arith.cmpi eq, %add3A, %eq3A : i32
    %jit3A_49 = arith.constant 5 : i32
    %jit3A_50 = arith.constant 20 : i32
    %select_n3A_51 = arith.select %eq3A_48, %jit3A_49, %jit3A_50 : i32
    %while3A = arith.constant 0 : i32
    %while3A_52 = arith.constant 0 : i32
    %while3A_53 = arith.subi %select_n3A_51, %while3A_52 : i32
    %while3A_54 = arith.addi %while3A_52, %while3A_53 : i32
    %while3A_55 = arith.constant 1 : i32
    %while3A_56 = arith.divsi %while3A_53, %while3A_55 : i32
    %while3A_57 = arith.muli %while3A_56, %while3A_55 : i32
    %while3A_58 = arith.addi %while3A_52, %while3A_57 : i32
    %while3A_59 = arith.constant 1 : i32
    scf.for %while3A_61 = %while3A_52 to %while3A_58 step %while3A_59  : i32 {
      %mul3A_62 = arith.constant 16 : i32
      %mul3A_63 = arith.muli %while3A_61, %mul3A_62 : i32
      %add3A_64 = arith.addi %mul3A_47, %mul3A_63 : i32
      %iota3A = tpu.iota {dimensions = array<i32: 0>} : vector<16xi32>
      %add3A_65 = vector.broadcast %add3A_64 : i32 to vector<16xi32>
      %add3A_66 = arith.addi %add3A_65, %iota3A : vector<16xi32>
      %gather3A = tpu.vector_load_idx %arg6[%add3A_66] : memref<40000xf32, #tpu.memory_space<vmem>>[vector<16xi32>], vector<16xf32>,
      %add3A_67 = arith.constant 10000 : i32
      %add3A_68 = vector.broadcast %add3A_67 : i32 to vector<16xi32>
      %add3A_69 = arith.addi %add3A_66, %add3A_68 : vector<16xi32>
      %gather3A_70 = tpu.vector_load_idx %arg6[%add3A_69] : memref<40000xf32, #tpu.memory_space<vmem>>[vector<16xi32>], vector<16xf32>,
      %add3A_71 = arith.constant 20000 : i32
      %add3A_72 = vector.broadcast %add3A_71 : i32 to vector<16xi32>
      %add3A_73 = arith.addi %add3A_66, %add3A_72 : vector<16xi32>
      %gather3A_74 = tpu.vector_load_idx %arg6[%add3A_73] : memref<40000xf32, #tpu.memory_space<vmem>>[vector<16xi32>], vector<16xf32>,
      %add3A_75 = arith.addf %gather3A, %gather3A_70 : vector<16xf32>
      %ge3A = arith.constant 0.000000e+00 : f32
      %ge3A_76 = vector.broadcast %ge3A : f32 to vector<16xf32>
      %ge3A_77 = arith.cmpf oge, %add3A_75, %ge3A_76 : vector<16xf32>
      %mul3A_78 = arith.constant 2.000000e-01 : f32
      %mul3A_79 = vector.broadcast %mul3A_78 : f32 to vector<16xf32>
      %mul3A_80 = arith.mulf %add3A_75, %mul3A_79 : vector<16xf32>
      %select_n3A_81 = arith.select %ge3A_77, %add3A_75, %mul3A_80 : vector<16xi1>, vector<16xf32>
      %exp3A = math.exp %select_n3A_81 : vector<16xf32>
      %get3A = arith.index_cast %add3A_64 : i32 to index
      %get3A_82 = tpu.vector_load %arg9[%get3A] {strides = array<i32>} : memref<10240xf32, #tpu.memory_space<vmem>>, vector<16xf32>,
      %add3A_83 = arith.addf %get3A_82, %exp3A : vector<16xf32>
      %swap3A = arith.index_cast %add3A_64 : i32 to index
      %swap3A_84 = tpu.vector_load %arg9[%swap3A] {strides = array<i32>} : memref<10240xf32, #tpu.memory_space<vmem>>, vector<16xf32>,
      tpu.vector_store %arg9[%swap3A], %add3A_83 {strides = array<i32>} : memref<10240xf32, #tpu.memory_space<vmem>>, vector<16xf32>,
      %get3A_85 = arith.index_cast %add3A_64 : i32 to index
      %get3A_86 = tpu.vector_load %arg8[%get3A_85] {strides = array<i32>} : memref<10240xf32, #tpu.memory_space<vmem>>, vector<16xf32>,
      %mul3A_87 = arith.mulf %exp3A, %gather3A_74 : vector<16xf32>
      %add3A_88 = arith.addf %get3A_86, %mul3A_87 : vector<16xf32>
      %swap3A_89 = arith.index_cast %add3A_64 : i32 to index
      %swap3A_90 = tpu.vector_load %arg8[%swap3A_89] {strides = array<i32>} : memref<10240xf32, #tpu.memory_space<vmem>>, vector<16xf32>,
      tpu.vector_store %arg8[%swap3A_89], %add3A_88 {strides = array<i32>} : memref<10240xf32, #tpu.memory_space<vmem>>, vector<16xf32>,
    }
    %while3A_60 = arith.constant 1 : i32
    scf.for %while3A_61 = %while3A_58 to %while3A_54 step %while3A_60  : i32 {
      %mul3A_62 = arith.constant 16 : i32
      %mul3A_63 = arith.muli %while3A_61, %mul3A_62 : i32
      %add3A_64 = arith.addi %mul3A_47, %mul3A_63 : i32
      %iota3A = tpu.iota {dimensions = array<i32: 0>} : vector<16xi32>
      %add3A_65 = vector.broadcast %add3A_64 : i32 to vector<16xi32>
      %add3A_66 = arith.addi %add3A_65, %iota3A : vector<16xi32>
      %gather3A = tpu.vector_load_idx %arg6[%add3A_66] : memref<40000xf32, #tpu.memory_space<vmem>>[vector<16xi32>], vector<16xf32>,
      %add3A_67 = arith.constant 10000 : i32
      %add3A_68 = vector.broadcast %add3A_67 : i32 to vector<16xi32>
      %add3A_69 = arith.addi %add3A_66, %add3A_68 : vector<16xi32>
      %gather3A_70 = tpu.vector_load_idx %arg6[%add3A_69] : memref<40000xf32, #tpu.memory_space<vmem>>[vector<16xi32>], vector<16xf32>,
      %add3A_71 = arith.constant 20000 : i32
      %add3A_72 = vector.broadcast %add3A_71 : i32 to vector<16xi32>
      %add3A_73 = arith.addi %add3A_66, %add3A_72 : vector<16xi32>
      %gather3A_74 = tpu.vector_load_idx %arg6[%add3A_73] : memref<40000xf32, #tpu.memory_space<vmem>>[vector<16xi32>], vector<16xf32>,
      %add3A_75 = arith.addf %gather3A, %gather3A_70 : vector<16xf32>
      %ge3A = arith.constant 0.000000e+00 : f32
      %ge3A_76 = vector.broadcast %ge3A : f32 to vector<16xf32>
      %ge3A_77 = arith.cmpf oge, %add3A_75, %ge3A_76 : vector<16xf32>
      %mul3A_78 = arith.constant 2.000000e-01 : f32
      %mul3A_79 = vector.broadcast %mul3A_78 : f32 to vector<16xf32>
      %mul3A_80 = arith.mulf %add3A_75, %mul3A_79 : vector<16xf32>
      %select_n3A_81 = arith.select %ge3A_77, %add3A_75, %mul3A_80 : vector<16xi1>, vector<16xf32>
      %exp3A = math.exp %select_n3A_81 : vector<16xf32>
      %get3A = arith.index_cast %add3A_64 : i32 to index
      %get3A_82 = tpu.vector_load %arg9[%get3A] {strides = array<i32>} : memref<10240xf32, #tpu.memory_space<vmem>>, vector<16xf32>,
      %add3A_83 = arith.addf %get3A_82, %exp3A : vector<16xf32>
      %swap3A = arith.index_cast %add3A_64 : i32 to index
      %swap3A_84 = tpu.vector_load %arg9[%swap3A] {strides = array<i32>} : memref<10240xf32, #tpu.memory_space<vmem>>, vector<16xf32>,
      tpu.vector_store %arg9[%swap3A], %add3A_83 {strides = array<i32>} : memref<10240xf32, #tpu.memory_space<vmem>>, vector<16xf32>,
      %get3A_85 = arith.index_cast %add3A_64 : i32 to index
      %get3A_86 = tpu.vector_load %arg8[%get3A_85] {strides = array<i32>} : memref<10240xf32, #tpu.memory_space<vmem>>, vector<16xf32>,
      %mul3A_87 = arith.mulf %exp3A, %gather3A_74 : vector<16xf32>
      %add3A_88 = arith.addf %get3A_86, %mul3A_87 : vector<16xf32>
      %swap3A_89 = arith.index_cast %add3A_64 : i32 to index
      %swap3A_90 = tpu.vector_load %arg8[%swap3A_89] {strides = array<i32>} : memref<10240xf32, #tpu.memory_space<vmem>>, vector<16xf32>,
      tpu.vector_store %arg8[%swap3A_89], %add3A_88 {strides = array<i32>} : memref<10240xf32, #tpu.memory_space<vmem>>, vector<16xf32>,
    }
    "tpu.region"() ({
      %run_scoped3A = tpu.sem_alloc : memref<!tpu.dma_semaphore, #tpu.memory_space<semaphore_mem>>
      %dma_start3A_61 = arith.constant 0 : i32
      %dma_start3A_62 = tpu.memref_slice %arg4[%add3A, %dma_start3A_61] : memref<32x10240xf32, #tpu.memory_space<hbm>> -> memref<1x10240xf32, #tpu.memory_space<hbm>>
      %dma_start3A_63 = tpu.memref_squeeze %dma_start3A_62 : memref<1x10240xf32, #tpu.memory_space<hbm>> -> memref<10240xf32, #tpu.memory_space<hbm>>
      %dma_start3A_64 = arith.constant 0 : i32
      %dma_start3A_65 = tpu.memref_slice %arg4[%add3A, %dma_start3A_64] : memref<32x10240xf32, #tpu.memory_space<hbm>> -> memref<1x10240xf32, #tpu.memory_space<hbm>>
      %dma_start3A_66 = tpu.memref_squeeze %dma_start3A_65 : memref<1x10240xf32, #tpu.memory_space<hbm>> -> memref<10240xf32, #tpu.memory_space<hbm>>
      tpu.enqueue_dma source(%arg8 : memref<10240xf32, #tpu.memory_space<vmem>>) target(%dma_start3A_66 : memref<10240xf32, #tpu.memory_space<hbm>>) target_semaphore(%run_scoped3A : memref<!tpu.dma_semaphore, #tpu.memory_space<semaphore_mem>>)
      %dma_wait3A_67 = arith.constant 0 : i32
      %dma_wait3A_68 = tpu.memref_slice %arg4[%add3A, %dma_wait3A_67] : memref<32x10240xf32, #tpu.memory_space<hbm>> -> memref<1x10240xf32, #tpu.memory_space<hbm>>
      %dma_wait3A_69 = tpu.memref_squeeze %dma_wait3A_68 : memref<1x10240xf32, #tpu.memory_space<hbm>> -> memref<10240xf32, #tpu.memory_space<hbm>>
      %dma_wait3A_70 = arith.constant 0 : i32
      %dma_wait3A_71 = tpu.memref_slice %arg4[%add3A, %dma_wait3A_70] : memref<32x10240xf32, #tpu.memory_space<hbm>> -> memref<1x10240xf32, #tpu.memory_space<hbm>>
      %dma_wait3A_72 = tpu.memref_squeeze %dma_wait3A_71 : memref<1x10240xf32, #tpu.memory_space<hbm>> -> memref<10240xf32, #tpu.memory_space<hbm>>
      tpu.wait_dma2 semaphore(%run_scoped3A : memref<!tpu.dma_semaphore, #tpu.memory_space<semaphore_mem>>) src(%arg8 : memref<10240xf32, #tpu.memory_space<vmem>>) dst(%dma_wait3A_72 : memref<10240xf32, #tpu.memory_space<hbm>>)
      tpu.yield
    }) : () -> ()
    "tpu.region"() ({
      %run_scoped3A = tpu.sem_alloc : memref<!tpu.dma_semaphore, #tpu.memory_space<semaphore_mem>>
      %dma_start3A_61 = arith.constant 0 : i32
      %dma_start3A_62 = tpu.memref_slice %arg5[%add3A, %dma_start3A_61] : memref<32x10240xf32, #tpu.memory_space<hbm>> -> memref<1x10240xf32, #tpu.memory_space<hbm>>
      %dma_start3A_63 = tpu.memref_squeeze %dma_start3A_62 : memref<1x10240xf32, #tpu.memory_space<hbm>> -> memref<10240xf32, #tpu.memory_space<hbm>>
      %dma_start3A_64 = arith.constant 0 : i32
      %dma_start3A_65 = tpu.memref_slice %arg5[%add3A, %dma_start3A_64] : memref<32x10240xf32, #tpu.memory_space<hbm>> -> memref<1x10240xf32, #tpu.memory_space<hbm>>
      %dma_start3A_66 = tpu.memref_squeeze %dma_start3A_65 : memref<1x10240xf32, #tpu.memory_space<hbm>> -> memref<10240xf32, #tpu.memory_space<hbm>>
      tpu.enqueue_dma source(%arg9 : memref<10240xf32, #tpu.memory_space<vmem>>) target(%dma_start3A_66 : memref<10240xf32, #tpu.memory_space<hbm>>) target_semaphore(%run_scoped3A : memref<!tpu.dma_semaphore, #tpu.memory_space<semaphore_mem>>)
      %dma_wait3A_67 = arith.constant 0 : i32
      %dma_wait3A_68 = tpu.memref_slice %arg5[%add3A, %dma_wait3A_67] : memref<32x10240xf32, #tpu.memory_space<hbm>> -> memref<1x10240xf32, #tpu.memory_space<hbm>>
      %dma_wait3A_69 = tpu.memref_squeeze %dma_wait3A_68 : memref<1x10240xf32, #tpu.memory_space<hbm>> -> memref<10240xf32, #tpu.memory_space<hbm>>
      %dma_wait3A_70 = arith.constant 0 : i32
      %dma_wait3A_71 = tpu.memref_slice %arg5[%add3A, %dma_wait3A_70] : memref<32x10240xf32, #tpu.memory_space<hbm>> -> memref<1x10240xf32, #tpu.memory_space<hbm>>
      %dma_wait3A_72 = tpu.memref_squeeze %dma_wait3A_71 : memref<1x10240xf32, #tpu.memory_space<hbm>> -> memref<10240xf32, #tpu.memory_space<hbm>>
      tpu.wait_dma2 semaphore(%run_scoped3A : memref<!tpu.dma_semaphore, #tpu.memory_space<semaphore_mem>>) src(%arg9 : memref<10240xf32, #tpu.memory_space<vmem>>) dst(%dma_wait3A_72 : memref<10240xf32, #tpu.memory_space<hbm>>)
      tpu.yield
    }) : () -> ()
    return
  }
}

module attributes {stable_mosaic.version = 14 : i64} {
  func.func @_proj_body(%arg0: i32, %arg1: memref<10000x128xf32, #tpu.memory_space<vmem>>, %arg2: memref<128x128xf32, #tpu.memory_space<vmem>>, %arg3: memref<1x128xf32, #tpu.memory_space<vmem>>, %arg4: memref<128x4xf32, #tpu.memory_space<vmem>>, %arg5: memref<1x4xf32, #tpu.memory_space<vmem>>, %arg6: memref<4x10000xf32, #tpu.memory_space<vmem>>) attributes {dimension_semantics = [#tpu.dimension_semantics<arbitrary>], iteration_bounds = array<i64: 1>, scalar_prefetch = 0 : i64, scratch_operands = 0 : i64, tpu.core_type = #tpu.core_type<tc>, window_params = [{transform_indices = @transform_0, window_bounds = array<i64: 10000, 128>}, {pipeline_mode = #tpu.pipeline_mode<synchronous>, transform_indices = @transform_1, window_bounds = array<i64: 128, 128>}, {pipeline_mode = #tpu.pipeline_mode<synchronous>, transform_indices = @transform_2, window_bounds = array<i64: 1, 128>}, {pipeline_mode = #tpu.pipeline_mode<synchronous>, transform_indices = @transform_3, window_bounds = array<i64: 128, 4>}, {pipeline_mode = #tpu.pipeline_mode<synchronous>, transform_indices = @transform_4, window_bounds = array<i64: 1, 4>}, {transform_indices = @transform_5, window_bounds = array<i64: 4, 10000>}]} {
    %get3A = arith.constant 0 : index
    %get3A_0 = arith.constant 0 : index
    %get3A_1 = vector.load %arg2[%get3A, %get3A_0] : memref<128x128xf32, #tpu.memory_space<vmem>>, vector<128x128xf32>
    %get3A_2 = arith.constant 0 : index
    %get3A_3 = arith.constant 0 : index
    %get3A_4 = vector.load %arg4[%get3A_2, %get3A_3] : memref<128x4xf32, #tpu.memory_space<vmem>>, vector<128x4xf32>
    %dot_general3A = arith.constant dense<0.000000e+00> : vector<128x4xf32>
    %dot_general3A_5 = tpu.matmul %get3A_1, %get3A_4, %dot_general3A {dimension_numbers = #tpu.dot_dimension_numbers<[1], [0], [0], [1], [0, 0, 1, 1], [], []>, transpose_lhs_hint = false} : vector<128x128xf32>, vector<128x4xf32>, vector<128x4xf32> -> vector<128x4xf32>
    %get3A_6 = arith.constant 0 : index
    %get3A_7 = arith.constant 0 : index
    %get3A_8 = vector.load %arg3[%get3A_6, %get3A_7] : memref<1x128xf32, #tpu.memory_space<vmem>>, vector<1x128xf32>
    %get3A_9 = arith.constant 0 : index
    %get3A_10 = arith.constant 0 : index
    %get3A_11 = vector.load %arg4[%get3A_9, %get3A_10] : memref<128x4xf32, #tpu.memory_space<vmem>>, vector<128x4xf32>
    %dot_general3A_12 = arith.constant dense<0.000000e+00> : vector<1x4xf32>
    %dot_general3A_13 = tpu.matmul %get3A_8, %get3A_11, %dot_general3A_12 {dimension_numbers = #tpu.dot_dimension_numbers<[1], [0], [0], [1], [0, 0, 1, 1], [], []>, transpose_lhs_hint = false} : vector<1x128xf32>, vector<128x4xf32>, vector<1x4xf32> -> vector<1x4xf32>
    %get3A_14 = arith.constant 0 : index
    %get3A_15 = arith.constant 0 : index
    %get3A_16 = vector.load %arg1[%get3A_14, %get3A_15] : memref<10000x128xf32, #tpu.memory_space<vmem>>, vector<10000x128xf32>
    %dot_general3A_17 = arith.constant dense<0.000000e+00> : vector<10000x4xf32>
    %dot_general3A_18 = tpu.matmul %get3A_16, %dot_general3A_5, %dot_general3A_17 {dimension_numbers = #tpu.dot_dimension_numbers<[1], [0], [0], [1], [0, 0, 1, 1], [], []>, transpose_lhs_hint = false} : vector<10000x128xf32>, vector<128x4xf32>, vector<10000x4xf32> -> vector<10000x4xf32>
    %add3A = vector.broadcast %dot_general3A_13 : vector<1x4xf32> to vector<10000x4xf32>
    %add3A_19 = arith.addf %dot_general3A_18, %add3A : vector<10000x4xf32>
    %get3A_20 = arith.constant 0 : index
    %get3A_21 = arith.constant 0 : index
    %get3A_22 = vector.load %arg5[%get3A_20, %get3A_21] : memref<1x4xf32, #tpu.memory_space<vmem>>, vector<1x4xf32>
    %add3A_23 = vector.broadcast %get3A_22 : vector<1x4xf32> to vector<10000x4xf32>
    %add3A_24 = arith.addf %add3A_19, %add3A_23 : vector<10000x4xf32>
    %transpose3A = tpu.transpose %add3A_24, [1, 0] : vector<10000x4xf32> -> vector<4x10000xf32>
    %swap3A = arith.constant 0 : index
    %swap3A_25 = arith.constant 0 : index
    %swap3A_26 = vector.load %arg6[%swap3A, %swap3A_25] : memref<4x10000xf32, #tpu.memory_space<vmem>>, vector<4x10000xf32>
    tpu.vector_store %arg6[%swap3A, %swap3A_25], %transpose3A {strides = array<i32>} : memref<4x10000xf32, #tpu.memory_space<vmem>>, vector<4x10000xf32>,
    return
  }
  func.func @transform_0(%arg0: i32) -> (i32, i32) {
    %c0_i32 = arith.constant 0 : i32
    %c0_i32_0 = arith.constant 0 : i32
    return %arg0, %c0_i32 : i32, i32
  }
  func.func @transform_1(%arg0: i32) -> (i32, i32) {
    %c0_i32 = arith.constant 0 : i32
    %c0_i32_0 = arith.constant 0 : i32
    %c0_i32_1 = arith.constant 0 : i32
    return %c0_i32, %c0_i32_0 : i32, i32
  }
  func.func @transform_2(%arg0: i32) -> (i32, i32) {
    %c0_i32 = arith.constant 0 : i32
    %c0_i32_0 = arith.constant 0 : i32
    %c0_i32_1 = arith.constant 0 : i32
    return %c0_i32, %c0_i32_0 : i32, i32
  }
  func.func @transform_3(%arg0: i32) -> (i32, i32) {
    %c0_i32 = arith.constant 0 : i32
    %c0_i32_0 = arith.constant 0 : i32
    %c0_i32_1 = arith.constant 0 : i32
    return %c0_i32, %c0_i32_0 : i32, i32
  }
  func.func @transform_4(%arg0: i32) -> (i32, i32) {
    %c0_i32 = arith.constant 0 : i32
    %c0_i32_0 = arith.constant 0 : i32
    %c0_i32_1 = arith.constant 0 : i32
    return %c0_i32, %c0_i32_0 : i32, i32
  }
  func.func @transform_5(%arg0: i32) -> (i32, i32) {
    %c0_i32 = arith.constant 0 : i32
    %c0_i32_0 = arith.constant 0 : i32
    return %c0_i32, %arg0 : i32, i32
  }
}

module attributes {stable_mosaic.version = 14 : i64} {
  func.func @_finalize_body(%arg0: memref<32x10240xf32, #tpu.memory_space<vmem>>, %arg1: memref<32x10240xf32, #tpu.memory_space<vmem>>, %arg2: memref<10000x128xf32, #tpu.memory_space<vmem>>) attributes {dimension_semantics = [], scalar_prefetch = 0 : i64, scratch_operands = 0 : i64, tpu.core_type = #tpu.core_type<tc>} {
    %get3A = arith.constant 0 : index
    %get3A_0 = arith.constant 0 : index
    %get3A_1 = vector.load %arg0[%get3A, %get3A_0] : memref<32x10240xf32, #tpu.memory_space<vmem>>, vector<32x10240xf32>
    %reduce_sum3A = arith.constant dense<0.000000e+00> : vector<10240xf32>
    %reduce_sum3A_2 = vector.multi_reduction <add>, %get3A_1, %reduce_sum3A [0] : vector<32x10240xf32> to vector<10240xf32>
    %get3A_3 = arith.constant 0 : index
    %get3A_4 = arith.constant 0 : index
    %get3A_5 = vector.load %arg1[%get3A_3, %get3A_4] : memref<32x10240xf32, #tpu.memory_space<vmem>>, vector<32x10240xf32>
    %reduce_sum3A_6 = arith.constant dense<0.000000e+00> : vector<10240xf32>
    %reduce_sum3A_7 = vector.multi_reduction <add>, %get3A_5, %reduce_sum3A_6 [0] : vector<32x10240xf32> to vector<10240xf32>
    %div3A = arith.divf %reduce_sum3A_2, %reduce_sum3A_7 : vector<10240xf32>
    %slice3A = vector.extract_strided_slice %div3A {offsets = [0], sizes = [10000], strides = [1]} : vector<10240xf32> to vector<10000xf32>
    %broadcast_in_dim3A = vector.shape_cast %slice3A : vector<10000xf32> to vector<10000x1xf32>
    %broadcast_in_dim3A_8 = vector.shape_cast %broadcast_in_dim3A : vector<10000x1xf32> to vector<10000x1xf32>
    %broadcast_in_dim3A_9 = vector.broadcast %broadcast_in_dim3A_8 : vector<10000x1xf32> to vector<10000x128xf32>
    %swap3A = arith.constant 0 : index
    %swap3A_10 = arith.constant 0 : index
    %swap3A_11 = vector.load %arg2[%swap3A, %swap3A_10] : memref<10000x128xf32, #tpu.memory_space<vmem>>, vector<10000x128xf32>
    tpu.vector_store %arg2[%swap3A, %swap3A_10], %broadcast_in_dim3A_9 {strides = array<i32>} : memref<10000x128xf32, #tpu.memory_space<vmem>>, vector<10000x128xf32>,
    return
  }
}

</mosaic_0001>

<sc_bundles>
// kernel: kernel.5.cloned.1.call-start
scs
__scs_entry_jumppad:
0x0: {  	(pc) =	sbr.rel $0x88, $3  }
0x1: {  	(tag) =	ssettag $0x0;
	lr =	simm.s32 $0x1  }
0x2: {  	[smem:$0x3F9B] =	sst lr;
	_ =	strace $0xD0000000  }
0x3: {  	_ = 	snop  }
0x4: {  	_ = 	snop  }
0x5: {  	_ = 	snop  }
0x6: {  	_ = 	snop  }
0x7: {  	_ = 	snop  }
__scs_overlays_trampoline_lowered:
0x8: {  	[smem:$0x3FAA] =	sst s0  }
0x9: {  	[smem:$0x3FAB] =	sst s1  }
0xa: {  	[smem:$0x3FAC] =	sst s2  }
0xb: {  	[smem:$0x3FAD] =	sst s3  }
0xc: {  	[smem:$0x3FAE] =	sst s4  }
0xd: {  	[smem:$0x3FAF] =	sst s5  }
0xe: {  	[smem:$0x3FB0] =	sst s6  }
0xf: {  	[smem:$0x3FB1] =	sst s7  }
0x10: {  	[smem:$0x3FB2] =	sst s8  }
0x11: {  	[smem:$0x3FB3] =	sst s9;
	s0 =	simm.s32 @!p0 $0x0  }
0x12: {  	s1 =	sld [smem:$0x3F99];
	s0 =	simm.s32 @p0 $0x1  }
0x13: {  	[smem:$0x3FB4] =	sst s0;
	s0 =	simm.s32 @!p1 $0x0  }
0x14: {  	s2 =	sld [smem:$0x3F98];
	s0 =	simm.s32 @p1 $0x1  }
0x15: {  	[smem:$0x3FB5] =	sst s0;
	s0 =	simm.s32 @!p2 $0x0  }
0x16: {  	s3 =	sld [smem:$0x3FDB];
	s0 =	simm.s32 @p2 $0x1  }
0x17: {  	s4 =	simm.s32 $0x1BF5;
	[smem:$0x3FB7] =	sst s0  }
0x18: {  	s0 =	sld [smem:$0x3F9A];
	_ =	swait.ge [sflag:s4], $0x0  }
0x19: {  	s7 =	sld [smem:$0x3F9B]  }
0x1a: {  	s8 =	sadd.s32 $0xFFFFE003, lr  }
0x1b: {  	s9 =	sadd.s32 $0xFFFFFEF7, lr;
	s5 =	simm.s32 $0xFFFFFFFF;
	p2 =	slt.u32 s8, $0xFFFFF086  }
0x1c: {  	p1 =	slt.u32 s9, $0xF7A;
	s5 =	simm.s32 @!p2 $0x0  }
0x1d: {  	s5 =	simm.s32 @p1 $0x1;
	p0 =	seq.s32 s7, s2  }
0x1e: {  	s7 =	smul.u32 @!p0 $0xF7A, s2;
	p2 =	seq.s32 @!p0 s5, $0x0  }
0x1f: {  	s9 =	smul.u32 $0xF7A, s1;
	s8 =	simm.s32 @!p0 $0x1BF5;
	p2 =	por !p2, p0  }
0x20: {  	[sflag:s8] =	ssyncset.s32 @!p0 $0xFFFFF086;
	s6 =	sadd.s32 @!p0 s3, s7;
	s7 =	simm.s32 @!p0 $0x108  }
0x21: {  	s3 =	sadd.s32 s3, s9;
	s6 =	sadd.s32 @!p0 $0x88, s6;
	s7 =	simm.s32 @p2 $0x1082  }
0x22: {  	[simem:s7], [sflag:s8] =	dma.local @!p0 [hbm:s6], $0xF7A  }
0x23: {  	s9 =	sor.u32 $0xD0000000, s2;
	s6 =	simm.s32 $0x108;
	_ =	swait.ge @!p0 [sflag:s8], $0x0  }
0x24: {  	s3 =	sadd.s32 $0x88, s3;
	s6 =	simm.s32 @!p1 $0x1082;
	[sflag:s4] =	ssyncset.s32 $0xFFFFF086  }
0x25: {  	[simem:s6], [sflag:s4] =	dma.local [hbm:s3], $0xF7A  }
0x26: {  	[smem:$0x3F9B] =	sst s1;
	(tag) =	ssettag s2;
	_ =	strace s9  }
0x27: {  	s1 =	sld [smem:$0x3FAB]  }
0x28: {  	s2 =	sld [smem:$0x3FAC]  }
0x29: {  	s4 =	sld [smem:$0x3FAE]  }
0x2a: {  	p0 =	seq.s32 s5, $0x0;
	s5 =	sld [smem:$0x3FAF]  }
0x2b: {  	s6 =	sld [smem:$0x3FB0]  }
0x2c: {  	s7 =	sld [smem:$0x3FB1]  }
0x2d: {  	s3 =	simm.s32 $0x108;
	s8 =	sld [smem:$0x3FB2]  }
0x2e: {  	s3 =	simm.s32 @!p0 $0x1082;
	s9 =	sld [smem:$0x3FB3]  }
0x2f: {  	lr =	sadd.s32 s0, s3;
	s0 =	sld [smem:$0x3FAA]  }
0x30: {  	s3 =	sld [smem:$0x3FAD]  }
0x31: {  	[smem:$0x3FB6] =	sst s10  }
0x32: {  	s10 =	sld [smem:$0x3FB4];
	_ =	sdelay $0x3  }
0x33: {  	p0 =	seq.s32 s10, $0x1;
	s10 =	sld [smem:$0x3FB6];
	_ =	sdelay $0x3  }
0x34: {  	[smem:$0x3FB6] =	sst s10  }
0x35: {  	s10 =	sld [smem:$0x3FB5];
	_ =	sdelay $0x3  }
0x36: {  	p1 =	seq.s32 s10, $0x1;
	s10 =	sld [smem:$0x3FB6];
	_ =	sdelay $0x3  }
0x37: {  	[smem:$0x3FB6] =	sst s10  }
0x38: {  	s10 =	sld [smem:$0x3FB7]  }
0x39: {  	_ = 	snop;
	(pc) =	sbr.ind lr, $3  }
0x3a: {  	_ = 	snop  }
0x3b: {  	_ = 	snop  }
0x3c: {  	p2 =	seq.s32 s10, $0x1;
	s10 =	sld [smem:$0x3FB6]  }
0x3d: {  	_ =	shalt  }
0x3e: {  	_ =	shalt  }
0x3f: {  	_ =	shalt  }
0x40: {  	_ =	shalt  }
0x41: {  	_ =	shalt  }
0x42: {  	_ =	shalt  }
0x43: {  	_ =	shalt  }
0x44: {  	_ =	shalt  }
0x45: {  	_ =	shalt  }
0x46: {  	_ =	shalt  }
0x47: {  	_ =	shalt  }
0x48: {  	_ =	shalt  }
0x49: {  	_ =	shalt  }
0x4a: {  	_ =	shalt  }
0x4b: {  	_ =	shalt  }
0x4c: {  	_ =	shalt  }
0x4d: {  	_ =	shalt  }
0x4e: {  	_ =	shalt  }
0x4f: {  	_ =	shalt  }
0x50: {  	_ =	shalt  }
0x51: {  	_ =	shalt  }
0x52: {  	_ =	shalt  }
0x53: {  	_ =	shalt  }
0x54: {  	_ =	shalt  }
0x55: {  	_ =	shalt  }
0x56: {  	_ =	shalt  }
0x57: {  	_ =	shalt  }
0x58: {  	_ =	shalt  }
0x59: {  	_ =	shalt  }
0x5a: {  	_ =	shalt  }
0x5b: {  	_ =	shalt  }
0x5c: {  	_ =	shalt  }
0x5d: {  	_ =	shalt  }
0x5e: {  	_ =	shalt  }
0x5f: {  	_ =	shalt  }
0x60: {  	_ =	shalt  }
0x61: {  	_ =	shalt  }
0x62: {  	_ =	shalt  }
0x63: {  	_ =	shalt  }
0x64: {  	_ =	shalt  }
0x65: {  	_ =	shalt  }
0x66: {  	_ =	shalt  }
0x67: {  	_ =	shalt  }
0x68: {  	_ =	shalt  }
0x69: {  	_ =	shalt  }
0x6a: {  	_ =	shalt  }
0x6b: {  	_ =	shalt  }
0x6c: {  	_ =	shalt  }
0x6d: {  	_ =	shalt  }
0x6e: {  	_ =	shalt  }
0x6f: {  	_ =	shalt  }
0x70: {  	_ =	shalt  }
0x71: {  	_ =	shalt  }
0x72: {  	_ =	shalt  }
0x73: {  	_ =	shalt  }
0x74: {  	_ =	shalt  }
0x75: {  	_ =	shalt  }
0x76: {  	_ =	shalt  }
0x77: {  	_ =	shalt  }
0x78: {  	_ =	shalt  }
0x79: {  	_ =	shalt  }
0x7a: {  	_ =	shalt  }
0x7b: {  	_ =	shalt  }
0x7c: {  	_ =	shalt  }
0x7d: {  	_ =	shalt  }
0x7e: {  	_ =	shalt  }
0x7f: {  	_ =	shalt  }
0x80: {  	_ =	shalt  }
0x81: {  	_ =	shalt  }
0x82: {  	_ =	shalt  }
0x83: {  	_ =	shalt  }
0x84: {  	_ =	shalt  }
0x85: {  	_ =	shalt  }
0x86: {  	_ =	shalt  }
0x87: {  	_ =	shalt  }
.Lfunc_end0:
.L_simem_size_0:
called_computation_lowered:
.L_overlay_start_0:
0x88: {  	s2 =	sld [smem:$0x3FD9]  }
0x89: {  	s3 =	sld [smem:$0x3FFE];
	_ =	sdelay $0x1  }
0x8a: {  	s1 =	srdreg.scid  }
0x8b: {  	s0 =	sand.u32 $0x1, s1  }
0x8c: {  	s17 =	sshll.u32 s0, $0xA;
	s2 =	sadd.s32 s3, s2  }
0x8d: {  	s2 =	sadd.s32 s2, s17  }
0x8e: {  	[smem:$0x3FC2] =	sst s2  }
0x8f: {  	_ = 	snop  }
0x90: {  	s2 =	sld [smem:$0x3FC8]  }
0x91: {  	s18 =	sld [smem:$0x3FD0];
	(tm) =	ssettm $0x1  }
0x92: {  	s4 =	sld [smem:$0x3FFB];
	_ =	sdelay $0x3  }
0x93: {  	_ =	strace s4  }
0x94: {  	s4 =	sld [smem:$0x3FFC];
	_ =	sdelay $0x3  }
0x95: {  	_ =	strace s4  }
0x96: {  	s4 =	sld [smem:$0x3FFD];
	_ =	sdelay $0x3  }
0x97: {  	_ =	strace s4  }
0x98: {  	_ =	strace $0x8FFFFFFF  }
0x99: {  	s19 =	sld [smem:$0x3FDB];
	_ =	sdelay $0x1  }
0x9a: {  	s5 =	simm.s32 $_scs_section_size  }
0x9b: {  	s6 =	simm.s32 $_size__tile_overlayer_lowered;
	s7 =	simm.s32 $_tile_overlayer_lowered  }
0x9c: {  	s22 =	simm.s32 $0x1BFF;
	s21 =	sshll.u32 s7, $0x1;
	s4 =	sadd.s32 s5, s19  }
0x9d: {  	s8 =	simm.s32 $0x0;
	s20 =	sshll.u32 s6, $0x1;
	s6 =	sadd.s32 s21, s4  }
0x9e: {  	[timem:s8], [sflag:s22] =	dma.local [hbm:s6], s20  }
0x9f: {  	_ =	swait.ge [sflag:s22], s20  }
0xa0: {  	s5 =	ssub.s32 $0x0, s20;
	[sflag:s22] =	ssyncset.done $0x0  }
0xa1: {  	[sflag:s22] =	ssyncadd.s32 s5;
	_ =	sdelay $0x1  }
0xa2: {  	s23 =	simm.s32 $0x1B8B  }
0xa3: {  	_ =	swait.ge [sflag:s23], $0x1  }
0xa4: {  	[sflag:s23] =	ssyncset.done $0x0  }
0xa5: {  	s25 =	simm.s32 $0x1B8E;
	s24 =	sld [smem:$0x3FFE];
	[sflag:s23] =	ssyncadd.s32 $0xFFFFFFFF  }
0xa6: {  	s26 =	simm.s32 $execute0_lowered;
	[smem:$0x3FD2] =	sst s25  }
0xa7: {  	s6 =	sshll.u32 s26, $0x1;
	_ =	strace $0x80000046;
	[dreg:$0x1] =	wrdreg $0xFFFFFFFF  }
0xa8: {  	s28 =	simm.s32 $_size_execute0_lowered;
	s4 =	sadd.s32 s4, s6;
	[dreg:$0x0] =	wrdreg $0x0  }
0xa9: {  	s6 =	sshll.u32 s28, $0x1;
	[dreg:$0x2] =	wrdreg s4  }
0xaa: {  	[dreg:$0x3] =	wrdreg s6  }
0xab: {  	[dreg:$0x4] =	wrdreg $0xC0  }
0xac: {  	_ =	task [dreg:s8], $0x5FFFF  }
0xad: {  	[dreg:$0x1] =	wrdreg $0xFFFFFFFF  }
0xae: {  	[dreg:$0x0] =	wrdreg $0x60  }
0xaf: {  	[dreg:$0x2] =	wrdreg s24  }
0xb0: {  	[dreg:$0x3] =	wrdreg s2  }
0xb1: {  	[dreg:$0x4] =	wrdreg s18  }
0xb2: {  	[dreg:$0x5] =	wrdreg $0x9  }
0xb3: {  	_ =	task.clear_ibuf [dreg:s8], $0x6FFFF;
	_ =	strace $0x90000046  }
0xb4: {  	s29 =	simm.s32 $0x9;
	_ =	strace $0x80000048  }
0xb5: {  	_ =	swait.ge [sflag:s29], $0x1  }
0xb6: {  	[sflag:s29] =	ssyncadd.s32 $0xFFFFFFFF  }
0xb7: {  	_ =	strace $0x90000048  }
0xb8: {  	_ =	sfence  }
0xb9: {  	s30 =	sld [smem:$0x0];
	_ =	sdelay $0x2  }
0xba: {  	s31 =	sshll.u32 s1, $0xD;
	s1 =	sshrl.u32 s1, $0x2  }
0xbb: {  	s3 =	sand.u32 $0x4000, s31;
	s1 =	sadd.s32 s1, s30  }
0xbc: {  	s0 =	sor.u32 s3, s0;
	s1 =	sshll.u32 s1, $0x11  }
0xbd: {  	s0 =	sor.u32 s1, s0  }
0xbe: {  	s0 =	sadd.s32 $0x8F2B, s0  }
0xbf: {  	[sflag:s0] =	ssyncadd.remote.s32 $0x1  }
0xc0: {  	_ =	sfence.sel $0xFFFF  }
0xc1: {  	[dreg:$0x0] =	wrdreg $0xFFFFFFFF;
	(pc) =	sbr.abs _section_cstart, $3  }
0xc2: {  	[dreg:$0x1] =	wrdreg $0xFFFFFFFF  }
0xc3: {  	_ =	task.clear_ibuf [dreg:s8], $0x2FFFF;
	_ =	strace $0x9FFFFFFF  }
0xc4: {  	(tm) =	ssettm $0x7FFFFFFF  }
0xc5: {  	_ =	shalt  }
tec
execute0_lowered:
.L_overlay_start_1:
0x0: {  	(tag) =	ssettag $0x1  }
0x1: {  	s4 =	rddreg [dreg:$0x0]  }
0x2: {  	s1 =	srdreg.scid;
	s5 =	rddreg [dreg:$0x1]  }
0x3: {  	s0 =	stileid.u32;
	s7 =	rddreg [dreg:$0x2]  }
0x4: {  	s2 =	simm.s32 $0x0;
	s16 =	simm.s32 $0x11380;
	s14 =	smul.u32 $0x4E20, s0  }
0x5: {  	s17 =	simm.s32 $0xEB80;
	s18 =	simm.s32 $0x80;
	s24 =	smul.u32 $0xA00, s0  }
0x6: {  	s9 =	sand.u32 $0x1, s1;
	s20 =	sshrl.u32 s0, $0x2;
	s29 =	smul.u32 $0x280, s0  }
0x7: {  	s19 =	sshll.u32 s0, $0x1;
	s1 =	rddreg [dreg:$0x3];
	s3 =	smul.u32 $0x14000, s20  }
0x8: {  	[smem:$0x7FF] =	sst s2;
	s6 =	sor.u32 s9, s19;
	s15 =	smul.u32 $0x2710, s9  }
0x9: {  	_ =	strace $0x80000047;
	s12 =	ssub.s32 $0x2, s9;
	s26 =	smul.u32 $0x500, s9  }
0xa: {  	s30 =	smul.u32 $0x140, s9;
	s19 =	simm.s32 $0x400;
	s20 =	simm.s32 $0x3  }
0xb: {  	s8 =	sshll.u32 s6, $0x7;
	s10 =	smul.u32 $0x2710, s6;
	s22 =	sshrl.u32 s12, $0x1  }
0xc: {  	p0 =	seq.s32 s6, $0x1F;
	s8 =	sand.u32 $0x380, s8;
	s23 =	sadd.s32 s15, s14  }
0xd: {  	s14 =	simm.s32 $0x1;
	s15 =	simm.s32 $0x2;
	s8 =	sor.u32 s3, s8  }
0xe: {  	s3 =	sadd.s32 $0x200, s4;
	s21 =	sshrl.u32 s10, $0x2;
	s10 =	ssub.s32 s12, s22  }
0xf: {  	s25 =	sshrl.u32 s23, $0x4;
	s12 =	sadd.s32 s26, s24;
	s8 =	sshrl.u32 s8, $0x3  }
0x10: {  	s13 =	sand.u32 $0x1FFE0, s21;
	s28 =	sand.u32 $0x7, s25;
	s31 =	sshrl.u32 s12, $0x2  }
0x11: {  	s12 =	sadd.s32 s30, s29;
	s21 =	simm.s32 $0x0;
	s11 =	sadd.s32 s8, s4  }
0x12: {  	s4 =	simm.s32 $0x5;
	s5 =	sadd.s32 s5, s13;
	s6 =	sadd.s32 s7, s8  }
0x13: {  	s8 =	smax.u32 s10, $0x1;
	s9 =	sshll.u32 s28, $0x5;
	s10 =	sadd.s32 $0x11380, s31  }
0x14: {  	s13 =	simm.s32 $0x9C80;
	s7 =	sadd.s32 $0x1600, s11;
	s11 =	sshll.u32 s28, $0x4  }
0x15: {  	v0 =	vimm.f32 $0.0e+00;
	v1 =	vlaneseq.u32;
	s4 =	simm.s32 @!p0 $0x14;
	[dreg:$0x4] =	wrdreg s11;
	s11 =	sadd.s32 $0xEB80, s31  }
.LBB2_1:
0x16: {  	[tilespmem:s2], [sflag:$0x1] =	stream.linear.gather [hbm4b:s3+s2], $0x9C80, $0x38;
	[tilespmem:$0x13B80] =	vst v63  }
0x17: {  	s22 =	simm.s32 $0xEBC0  }
0x18: {  	[tilespmem:s13], [sflag:$0x2] =	stream.linear.gather [hbm4b:s5+s2], $0x4F00, $0x38;
	[tilespmem:$0x13B80] =	vst v63  }
0x19: {  	[tilespmem:s22+$0x30] =	vst v0  }
0x1a: {  	[tilespmem:s22+$0xFFFFFFF0] =	vst v0  }
0x1b: {  	[tilespmem:s22+$0xFFFFFFC0] =	vst v0  }
0x1c: {  	[tilespmem:s22+$0xFFFFFFE0] =	vst v0  }
0x1d: {  	[tilespmem:s22+$0x10] =	vst v0  }
0x1e: {  	[tilespmem:s22+$0x20] =	vst v0  }
0x1f: {  	[tilespmem:s22+$0x0] =	vst v0  }
0x20: {  	s23 =	simm.s32 $0x113C0;
	[tilespmem:s22+$0xFFFFFFD0] =	vst v0  }
0x21: {  	[tilespmem:s23+$0xFFFFFFC0] =	vst v0  }
0x22: {  	[tilespmem:s23+$0x30] =	vst v0  }
0x23: {  	[tilespmem:s23+$0x20] =	vst v0  }
0x24: {  	[tilespmem:s23+$0x10] =	vst v0  }
0x25: {  	[tilespmem:s23+$0xFFFFFFE0] =	vst v0  }
0x26: {  	[tilespmem:s23+$0x0] =	vst v0  }
0x27: {  	s24 =	simm.s32 $0x0;
	[tilespmem:s23+$0xFFFFFFF0] =	vst v0  }
.LBB2_2:
0x28: {  	s24 =	sadd.s32 $0x80, s24;
	[tilespmem:s23+$0xFFFFFFD0] =	vst v0;
	s22 =	sadd.s32 $0x80, s22;
	s23 =	sadd.s32 $0x80, s23  }
0x29: {  	[tilespmem:s22+$0x30] =	vst v0;
	p0 =	slt.u32 s24, $0x2780  }
0x2a: {  	[tilespmem:s22+$0xFFFFFFF0] =	vst v0  }
0x2b: {  	[tilespmem:s22+$0xFFFFFFC0] =	vst v0  }
0x2c: {  	[tilespmem:s23+$0xFFFFFFC0] =	vst v0  }
0x2d: {  	[tilespmem:s23+$0x30] =	vst v0  }
0x2e: {  	[tilespmem:s22+$0xFFFFFFE0] =	vst v0  }
0x2f: {  	[tilespmem:s22+$0x10] =	vst v0  }
0x30: {  	[tilespmem:s22+$0x20] =	vst v0  }
0x31: {  	[tilespmem:s23+$0x20] =	vst v0  }
0x32: {  	[tilespmem:s23+$0x10] =	vst v0  }
.Ltmp0:
0x33: {  	[tilespmem:s23+$0xFFFFFFE0] =	vst v0;
	(pc) =	sbr.rel @p0 .LBB2_2-.Ltmp0, $4  }
0x34: {  	[tilespmem:s22+$0x0] =	vst v0  }
0x35: {  	[tilespmem:s23+$0x0] =	vst v0  }
0x36: {  	[tilespmem:s23+$0xFFFFFFF0] =	vst v0  }
0x37: {  	[tilespmem:s22+$0xFFFFFFD0] =	vst v0  }
0x38: {  	[tilespmem:s23+$0xFFFFFFD0] =	vst v0  }
0x39: {  	_ =	swait.ge [sflag:s14], $0x9C80  }
0x3a: {  	[sflag:s14] =	ssyncset.done $0x0  }
0x3b: {  	[sflag:s14] =	ssyncadd.s32 $0xFFFF6380  }
0x3c: {  	_ =	swait.ge [sflag:s15], $0x4F00  }
0x3d: {  	[sflag:s15] =	ssyncset.done $0x0  }
0x3e: {  	s22 =	simm.s32 $0xFFFFFE70;
	s23 =	smov.u32 s9;
	[sflag:s15] =	ssyncadd.s32 $0xFFFFB100  }
.LBB2_4:
0x3f: {  	s24 =	rddreg [dreg:$0x4]  }
0x40: {  	s24 =	sadd.s32 s22, s24  }
0x41: {  	s25 =	sadd.s32 $0x190, s24  }
0x42: {  	s26 =	sand.u32 $0xFF00, s23;
	s25 =	sand.u32 $0x70, s25  }
0x43: {  	s25 =	sor.u32 s25, s26  }
0x44: {  	s30 =	sadd.s32 $0x20, s23;
	s29 =	sadd.s32 $0x1A0, s24;
	v2 =	vld [tilespmem:s25+$0x9C80]  }
0x45: {  	s26 =	sand.u32 $0x1FF00, s30;
	v3 =	vld [tilespmem:s25+$0x9D00];
	s25 =	sand.u32 $0x70, s29  }
0x46: {  	s28 =	sadd.s32 $0x40, s23;
	s31 =	sadd.s32 $0x1B0, s24;
	s25 =	sor.u32 s25, s26  }
0x47: {  	s28 =	sand.u32 $0x1FF00, s28;
	s26 =	sand.u32 $0x70, s31;
	v5 =	vld [tilespmem:s25+$0x9C80]  }
0x48: {  	s30 =	sadd.s32 $0x1C0, s24;
	s31 =	sadd.s32 $0x60, s23;
	v6 =	vld [tilespmem:s25+$0x9D00];
	s29 =	sor.u32 s26, s28  }
0x49: {  	s25 =	sand.u32 $0x70, s30;
	s26 =	sand.u32 $0x1FF00, s31;
	v7 =	vld [tilespmem:s29+$0x9C80]  }
0x4a: {  	v8 =	vld [tilespmem:s29+$0x9D00];
	s25 =	sor.u32 s25, s26  }
0x4b: {  	s28 =	sadd.s32 $0x1D0, s24;
	s29 =	sadd.s32 $0x80, s23;
	v10 =	vld [tilespmem:s25+$0x9C80]  }
0x4c: {  	v12 =	vld [tilespmem:s25+$0x9D00];
	s25 =	sand.u32 $0x70, s28;
	s26 =	sand.u32 $0x1FF00, s29;
	v4 =	vadd.s32 $0x2710, v2  }
0x4d: {  	s25 =	sor.u32 s25, s26  }
0x4e: {  	v62 =	vld [tilespmem:s25+$0x9C80]  }
0x4f: {  	s30 =	sadd.s32 $0x1E0, s24;
	s31 =	sadd.s32 $0xA0, s23;
	v2 =	vadd.s32 $0x4E20, v2;
	v15 =	vld [tilespmem:s25+$0x9D00]  }
0x50: {  	s26 =	sand.u32 $0x1FF00, s31;
	s25 =	sand.u32 $0x70, s30;
	v9 =	vld.idx.msk [tilespmem:v3+s2+$0x0], $0xffff  }
0x51: {  	s25 =	sor.u32 s25, s26;
	v4 =	vld.idx.msk [tilespmem:v4+s2+$0x0], $0xffff  }
0x52: {  	v63 =	vld [tilespmem:s25+$0x9C80]  }
0x53: {  	s28 =	sadd.s32 $0x1F0, s24;
	s29 =	sadd.s32 $0xC0, s23;
	v19 =	vld [tilespmem:s25+$0x9D00]  }
0x54: {  	v11 =	vadd.s32 $0x2710, v5;
	s26 =	sand.u32 $0x1FF00, s29;
	s25 =	sand.u32 $0x70, s28;
	v13 =	vld.idx.msk [tilespmem:v2+s2+$0x0], $0xffff  }
0x55: {  	s25 =	sor.u32 s25, s26;
	v2 =	vld.idx.msk [tilespmem:v6+s2+$0x0], $0xffff  }
0x56: {  	v14 =	vadd.s32 $0x2710, v7;
	v21 =	vld [tilespmem:s25+$0x9C80];
	v4 =	vadd.f32 v4, v9  }
0x57: {  	v23 =	vld [tilespmem:s25+$0x9D00]  }
0x58: {  	v17 =	vld.idx.msk [tilespmem:v8+s2+$0x0], $0xffff;
	v16 =	vmul.f32 $2.000000030e-01, v4  }
0x59: {  	s31 =	sadd.s32 $0xE0, s23;
	s30 =	sadd.s32 $0x200, s24;
	v20 =	vadd.s32 $0x2710, v62;
	v11 =	vld.idx.msk [tilespmem:v11+s2+$0x0], $0xffff;
	vm0 =	vge.f32 v4, $0.0e+00  }
0x5a: {  	v18 =	vadd.s32 $0x2710, v10;
	s26 =	sand.u32 $0x1FF00, s31;
	s25 =	sand.u32 $0x70, s30;
	v28 =	vld.idx.msk [tilespmem:v12+s2+$0x0], $0xffff;
	v4 =	vsel vm0, v4, v16  }
0x5b: {  	s25 =	sor.u32 s25, s26;
	v14 =	vld.idx.msk [tilespmem:v14+s2+$0x0], $0xffff;
	v4 =	vmul.f32 $1.442695020e+00, v4  }
0x5c: {  	v25 =	vld [tilespmem:s25+$0x9C80];
	v30 =	vadd.s32 $0x2710, v63  }
0x5d: {  	v5 =	vadd.s32 $0x4E20, v5;
	v24 =	vld.idx.msk [tilespmem:v15+s2+$0x0], $0xffff;
	(erf) = vpow2.f32 v4  }
0x5e: {  	v7 =	vadd.s32 $0x4E20, v7;
	v31 =	vld.idx.msk [tilespmem:v20+s2+$0x0], $0xffff  }
0x5f: {  	v10 =	vadd.s32 $0x4E20, v10;
	v29 =	vld.idx.msk [tilespmem:v18+s2+$0x0], $0xffff;
	v2 =	vadd.f32 v11, v2  }
0x60: {  	v32 =	vld.idx.msk [tilespmem:v19+s2+$0x0], $0xffff;
	v14 =	vadd.f32 v14, v17  }
0x61: {  	v35 =	vadd.s32 $0x2710, v21;
	v9 =	vadd.s32 $0x4E20, v62;
	v34 =	vld.idx.msk [tilespmem:v30+s2+$0x0], $0xffff;
	v22 =	vmul.f32 $2.000000030e-01, v2  }
0x62: {  	v5 =	vld.idx.msk [tilespmem:v5+s2+$0x0], $0xffff;
	v49 =	vadd.s32 $0x4E20, v21;
	vm4 =	vge.f32 v2, $0.0e+00;
	v33 =	vmul.f32 $2.000000030e-01, v14  }
0x63: {  	v7 =	vld.idx.msk [tilespmem:v7+s2+$0x0], $0xffff;
	vm5 =	vge.f32 v14, $0.0e+00;
	v2 =	vsel vm4, v2, v22;
	v17 =	vadd.f32 v31, v24  }
0x64: {  	v10 =	vld.idx.msk [tilespmem:v10+s2+$0x0], $0xffff;
	v2 =	vmul.f32 $1.442695020e+00, v2;
	v4 =	vadd.f32 v29, v28;
	v14 =	vsel vm5, v14, v33  }
0x65: {  	v40 =	vadd.s32 $0x2710, v25;
	v37 =	vld.idx.msk [tilespmem:v23+s2+$0x0], $0xffff;
	v14 =	vmul.f32 $1.442695020e+00, v14;
	v39 =	vmul.f32 $2.000000030e-01, v17  }
0x66: {  	v38 =	vld.idx.msk [tilespmem:v35+s2+$0x0], $0xffff;
	v11 =	vadd.f32 v34, v32;
	(erf) = vpow2.f32 v2;
	v36 =	vmul.f32 $2.000000030e-01, v4;
	v26 =	vpop (erf)  }
0x67: {  	s29 =	sadd.s32 $0x100, s23;
	s28 =	sadd.s32 $0x210, s24;
	v2 =	vld [tilespmem:s25+$0x9D00];
	vm6 =	vge.f32 v4, $0.0e+00;
	(erf) = vpow2.f32 v14;
	v13 =	vmul.f32 v26, v13  }
0x68: {  	s26 =	sand.u32 $0x1FF00, s29;
	v16 =	vadd.s32 $0x4E20, v63;
	vm7 =	vge.f32 v17, $0.0e+00;
	s25 =	sand.u32 $0x70, s28;
	v4 =	vsel vm6, v4, v36;
	[tilespmem:v3+s16+$0x0] =	vst.idx.add.f32.msk $0xffff, v26  }
0x69: {  	v41 =	vmul.f32 $2.000000030e-01, v11;
	s25 =	sor.u32 s25, s26;
	v4 =	vmul.f32 $1.442695020e+00, v4;
	[tilespmem:v3+s17+$0x0] =	vst.idx.add.f32.msk $0xffff, v13;
	v3 =	vsel vm7, v17, v39  }
0x6a: {  	vm8 =	vge.f32 v11, $0.0e+00;
	v55 =	vld [tilespmem:s25+$0x9C80];
	v3 =	vmul.f32 $1.442695020e+00, v3  }
0x6b: {  	v48 =	vld.idx.msk [tilespmem:v9+s2+$0x0], $0xffff;
	(erf) = vpow2.f32 v4;
	v4 =	vsel vm8, v11, v41  }
0x6c: {  	v54 =	vld.idx.msk [tilespmem:v49+s2+$0x0], $0xffff;
	(erf) = vpow2.f32 v3;
	v3 =	vmul.f32 $1.442695020e+00, v4  }
0x6d: {  	v45 =	vld.idx.msk [tilespmem:v40+s2+$0x0], $0xffff;
	v42 =	vadd.f32 v38, v37  }
0x6e: {  	v57 =	vadd.s32 $0x4E20, v25;
	v51 =	vld.idx.msk [tilespmem:v16+s2+$0x0], $0xffff  }
0x6f: {  	v46 =	vmul.f32 $2.000000030e-01, v42;
	v59 =	vadd.s32 $0x2710, v55;
	v43 =	vld.idx.msk [tilespmem:v2+s2+$0x0], $0xffff;
	v44 =	vpop (erf);
	(erf) = vpow2.f32 v3  }
0x70: {  	vm9 =	vge.f32 v42, $0.0e+00;
	[tilespmem:v6+s16+$0x0] =	vst.idx.add.f32.msk $0xffff, v44;
	v5 =	vmul.f32 v44, v5;
	v3 =	vpop (erf)  }
0x71: {  	v47 =	vsel vm9, v42, v46;
	[tilespmem:v8+s16+$0x0] =	vst.idx.add.f32.msk $0xffff, v3;
	v3 =	vmul.f32 v3, v7  }
0x72: {  	[tilespmem:v6+s17+$0x0] =	vst.idx.add.f32.msk $0xffff, v5;
	v5 =	vmul.f32 $1.442695020e+00, v47  }
0x73: {  	v6 =	vld.idx.msk [tilespmem:v57+s2+$0x0], $0xffff  }
0x74: {  	v9 =	vld.idx.msk [tilespmem:v59+s2+$0x0], $0xffff;
	(erf) = vpow2.f32 v5  }
0x75: {  	[tilespmem:v8+s17+$0x0] =	vst.idx.add.f32.msk $0xffff, v3;
	v3 =	vpop (erf)  }
0x76: {  	v50 =	vmul.f32 v3, v10;
	[tilespmem:v12+s16+$0x0] =	vst.idx.add.f32.msk $0xffff, v3;
	v3 =	vpop (erf)  }
0x77: {  	s31 =	sadd.s32 $0x120, s23;
	s30 =	sadd.s32 $0x220, s24;
	v4 =	vadd.f32 v45, v43;
	[tilespmem:v15+s16+$0x0] =	vst.idx.add.f32.msk $0xffff, v3;
	v3 =	vmul.f32 v3, v48  }
0x78: {  	s26 =	sand.u32 $0x1FF00, s31;
	v7 =	vld [tilespmem:s25+$0x9D00];
	s25 =	sand.u32 $0x70, s30;
	v53 =	vpop (erf)  }
0x79: {  	v52 =	vmul.f32 $2.000000030e-01, v4;
	s25 =	sor.u32 s25, s26;
	[tilespmem:v15+s17+$0x0] =	vst.idx.add.f32.msk $0xffff, v3;
	v3 =	vmul.f32 v53, v51  }
0x7a: {  	vm10 =	vge.f32 v4, $0.0e+00;
	v5 =	vld [tilespmem:s25+$0x9D00]  }
0x7b: {  	v4 =	vsel vm10, v4, v52;
	[tilespmem:v12+s17+$0x0] =	vst.idx.add.f32.msk $0xffff, v50  }
0x7c: {  	v4 =	vmul.f32 $1.442695020e+00, v4;
	[tilespmem:v19+s16+$0x0] =	vst.idx.add.f32.msk $0xffff, v53  }
0x7d: {  	[tilespmem:v19+s17+$0x0] =	vst.idx.add.f32.msk $0xffff, v3;
	v3 =	vpop (erf)  }
0x7e: {  	s29 =	sadd.s32 $0x140, s23;
	s28 =	sadd.s32 $0x230, s24;
	(erf) = vpow2.f32 v4;
	v4 =	vadd.s32 $0x4E20, v55;
	[tilespmem:v23+s16+$0x0] =	vst.idx.add.f32.msk $0xffff, v3  }
0x7f: {  	s26 =	sand.u32 $0x1FF00, s29;
	v56 =	vmul.f32 v3, v54;
	v3 =	vld [tilespmem:s25+$0x9C80];
	s25 =	sand.u32 $0x70, s28  }
0x80: {  	v61 =	vld.idx.msk [tilespmem:v7+s2+$0x0], $0xffff;
	s25 =	sor.u32 s25, s26  }
0x81: {  	s31 =	sadd.s32 $0x160, s23;
	s30 =	sadd.s32 $0x240, s24;
	v60 =	vld [tilespmem:s25+$0x9C80]  }
0x82: {  	s26 =	sand.u32 $0x1FF00, s31;
	v11 =	vld [tilespmem:s25+$0x9D00];
	s25 =	sand.u32 $0x70, s30  }
0x83: {  	v4 =	vld.idx.msk [tilespmem:v4+s2+$0x0], $0xffff;
	s25 =	sor.u32 s25, s26  }
0x84: {  	s29 =	sadd.s32 $0x180, s23;
	s28 =	sadd.s32 $0x250, s24;
	v63 =	vld [tilespmem:s25+$0x9C80]  }
0x85: {  	s26 =	sand.u32 $0x1FF00, s29;
	v15 =	vld [tilespmem:s25+$0x9D00];
	s25 =	sand.u32 $0x70, s28  }
0x86: {  	v32 =	vld.idx.msk [tilespmem:v5+s2+$0x0], $0xffff;
	s25 =	sor.u32 s25, s26  }
0x87: {  	s31 =	sadd.s32 $0x1A0, s23;
	s30 =	sadd.s32 $0x260, s24;
	v62 =	vadd.s32 $0x2710, v3;
	v34 =	vld [tilespmem:s25+$0x9D00]  }
0x88: {  	v58 =	vpop (erf);
	s26 =	sand.u32 $0x1FF00, s31;
	v35 =	vld [tilespmem:s25+$0x9C80];
	s25 =	sand.u32 $0x70, s30  }
0x89: {  	[tilespmem:v2+s16+$0x0] =	vst.idx.add.f32.msk $0xffff, v58;
	s25 =	sor.u32 s25, s26  }
0x8a: {  	v39 =	vld [tilespmem:s25+$0x9D00]  }
0x8b: {  	s29 =	sadd.s32 $0x1C0, s23;
	s28 =	sadd.s32 $0x270, s24;
	v33 =	vadd.s32 $0x2710, v60;
	v40 =	vld [tilespmem:s25+$0x9C80]  }
0x8c: {  	s26 =	sand.u32 $0x1FF00, s29;
	s25 =	sand.u32 $0x70, s28;
	v13 =	vld.idx.msk [tilespmem:v62+s2+$0x0], $0xffff  }
0x8d: {  	s25 =	sor.u32 s25, s26;
	v36 =	vld.idx.msk [tilespmem:v11+s2+$0x0], $0xffff  }
0x8e: {  	v37 =	vadd.s32 $0x2710, v63;
	v45 =	vld [tilespmem:s25+$0x9C80]  }
0x8f: {  	s31 =	sadd.s32 $0x1E0, s23;
	s30 =	sadd.s32 $0x280, s24;
	v27 =	vld [tilespmem:s25+$0x9D00]  }
0x90: {  	v9 =	vadd.f32 v9, v61;
	s26 =	sand.u32 $0x1FF00, s31;
	s25 =	sand.u32 $0x70, s30;
	v17 =	vld.idx.msk [tilespmem:v33+s2+$0x0], $0xffff  }
0x91: {  	s25 =	sor.u32 s25, s26;
	v41 =	vld.idx.msk [tilespmem:v15+s2+$0x0], $0xffff  }
0x92: {  	v38 =	vmul.f32 $2.000000030e-01, v9;
	v42 =	vadd.s32 $0x2710, v35;
	v28 =	vld [tilespmem:s25+$0x9C80]  }
0x93: {  	vm11 =	vge.f32 v9, $0.0e+00;
	v20 =	vld.idx.msk [tilespmem:v37+s2+$0x0], $0xffff  }
0x94: {  	v9 =	vsel vm11, v9, v38;
	v52 =	vld [tilespmem:s25+$0x9D00];
	v43 =	vadd.f32 v13, v32  }
0x95: {  	[tilespmem:v23+s17+$0x0] =	vst.idx.add.f32.msk $0xffff, v56;
	v9 =	vmul.f32 $1.442695020e+00, v9;
	v47 =	vadd.s32 $0x2710, v40  }
0x96: {  	v6 =	vmul.f32 v58, v6;
	v44 =	vld.idx.msk [tilespmem:v34+s2+$0x0], $0xffff;
	v46 =	vmul.f32 $2.000000030e-01, v43;
	v17 =	vadd.f32 v17, v36  }
0x97: {  	(erf) = vpow2.f32 v9;
	v48 =	vld.idx.msk [tilespmem:v42+s2+$0x0], $0xffff;
	vm12 =	vge.f32 v43, $0.0e+00;
	v58 =	vadd.s32 $0x2710, v28  }
0x98: {  	[tilespmem:v2+s17+$0x0] =	vst.idx.add.f32.msk $0xffff, v6;
	s29 =	sadd.s32 $0x200, s23;
	s28 =	sadd.s32 $0x290, s24;
	v9 =	vsel vm12, v43, v46;
	v50 =	vmul.f32 $2.000000030e-01, v17;
	v51 =	vadd.f32 v20, v41  }
0x99: {  	v2 =	vadd.s32 $0x4E20, v3;
	s26 =	sand.u32 $0x1FF00, s29;
	s25 =	sand.u32 $0x70, s28;
	v49 =	vld.idx.msk [tilespmem:v39+s2+$0x0], $0xffff;
	vm13 =	vge.f32 v17, $0.0e+00;
	v9 =	vmul.f32 $1.442695020e+00, v9  }
0x9a: {  	s25 =	sor.u32 s25, s26;
	v55 =	vadd.s32 $0x2710, v45;
	v54 =	vld.idx.msk [tilespmem:v47+s2+$0x0], $0xffff;
	v53 =	vsel vm13, v17, v50;
	v56 =	vmul.f32 $2.000000030e-01, v51  }
0x9b: {  	v59 =	vadd.s32 $0x4E20, v60;
	v36 =	vld [tilespmem:s25+$0x9C80];
	(erf) = vpow2.f32 v9;
	v3 =	vmul.f32 $1.442695020e+00, v53  }
0x9c: {  	v14 =	vadd.s32 $0x4E20, v63;
	v63 =	vld.idx.msk [tilespmem:v52+s2+$0x0], $0xffff;
	vm14 =	vge.f32 v51, $0.0e+00;
	v13 =	vadd.f32 v48, v44  }
0x9d: {  	v12 =	vadd.s32 $0x4E20, v35;
	v6 =	vld.idx.msk [tilespmem:v58+s2+$0x0], $0xffff;
	(erf) = vpow2.f32 v3;
	v3 =	vsel vm14, v51, v56  }
0x9e: {  	v61 =	vld.idx.msk [tilespmem:v27+s2+$0x0], $0xffff;
	v60 =	vmul.f32 $2.000000030e-01, v13;
	v3 =	vmul.f32 $1.442695020e+00, v3  }
0x9f: {  	v23 =	vld.idx.msk [tilespmem:v55+s2+$0x0], $0xffff;
	vm15 =	vge.f32 v13, $0.0e+00;
	v17 =	vadd.f32 v54, v49  }
0xa0: {  	v2 =	vld.idx.msk [tilespmem:v2+s2+$0x0], $0xffff;
	v24 =	vadd.s32 $0x4E20, v40;
	(erf) = vpow2.f32 v3;
	v3 =	vsel vm15, v13, v60  }
0xa1: {  	v8 =	vld.idx.msk [tilespmem:v59+s2+$0x0], $0xffff;
	v57 =	vpop (erf);
	v62 =	vmul.f32 $2.000000030e-01, v17;
	v3 =	vmul.f32 $1.442695020e+00, v3  }
0xa2: {  	v29 =	vld.idx.msk [tilespmem:v12+s2+$0x0], $0xffff;
	v4 =	vmul.f32 v57, v4;
	vm4 =	vge.f32 v17, $0.0e+00;
	v25 =	vadd.f32 v6, v63  }
0xa3: {  	[tilespmem:v7+s16+$0x0] =	vst.idx.add.f32.msk $0xffff, v57;
	v6 =	vadd.s32 $0x4E20, v36;
	(erf) = vpow2.f32 v3;
	v3 =	vsel vm4, v17, v62  }
0xa4: {  	[tilespmem:v7+s17+$0x0] =	vst.idx.add.f32.msk $0xffff, v4;
	v19 =	vadd.f32 v23, v61;
	v17 =	vpop (erf);
	v3 =	vmul.f32 $1.442695020e+00, v3  }
0xa5: {  	v4 =	vld.idx.msk [tilespmem:v24+s2+$0x0], $0xffff;
	v2 =	vmul.f32 v17, v2  }
0xa6: {  	v23 =	vld.idx.msk [tilespmem:v14+s2+$0x0], $0xffff;
	(erf) = vpow2.f32 v3;
	v3 =	vmul.f32 $2.000000030e-01, v19  }
0xa7: {  	vm5 =	vge.f32 v19, $0.0e+00;
	[tilespmem:v5+s16+$0x0] =	vst.idx.add.f32.msk $0xffff, v17  }
0xa8: {  	v12 =	vld.idx.msk [tilespmem:v6+s2+$0x0], $0xffff;
	v3 =	vsel vm5, v19, v3  }
0xa9: {  	v30 =	vmul.f32 $2.000000030e-01, v25;
	[tilespmem:v5+s17+$0x0] =	vst.idx.add.f32.msk $0xffff, v2;
	v2 =	vpop (erf);
	v3 =	vmul.f32 $1.442695020e+00, v3  }
0xaa: {  	vm6 =	vge.f32 v25, $0.0e+00;
	v26 =	vmul.f32 v2, v8;
	[tilespmem:v11+s16+$0x0] =	vst.idx.add.f32.msk $0xffff, v2;
	v2 =	vpop (erf)  }
0xab: {  	v32 =	vadd.s32 $0x4E20, v45;
	(erf) = vpow2.f32 v3;
	v3 =	vsel vm6, v25, v30;
	[tilespmem:v15+s16+$0x0] =	vst.idx.add.f32.msk $0xffff, v2  }
0xac: {  	v31 =	vmul.f32 v2, v23;
	[tilespmem:v11+s17+$0x0] =	vst.idx.add.f32.msk $0xffff, v26;
	v2 =	vpop (erf);
	v3 =	vmul.f32 $1.442695020e+00, v3  }
0xad: {  	v33 =	vmul.f32 v2, v29;
	[tilespmem:v34+s16+$0x0] =	vst.idx.add.f32.msk $0xffff, v2;
	v2 =	vadd.s32 $0x4E20, v28  }
0xae: {  	[tilespmem:v15+s17+$0x0] =	vst.idx.add.f32.msk $0xffff, v31  }
0xaf: {  	(erf) = vpow2.f32 v3;
	[tilespmem:v34+s17+$0x0] =	vst.idx.add.f32.msk $0xffff, v33  }
0xb0: {  	v34 =	vld.idx.msk [tilespmem:v32+s2+$0x0], $0xffff;
	v3 =	vpop (erf)  }
0xb1: {  	[tilespmem:v39+s16+$0x0] =	vst.idx.add.f32.msk $0xffff, v3  }
0xb2: {  	s31 =	sadd.s32 $0x220, s23;
	s30 =	sadd.s32 $0x2A0, s24;
	v4 =	vmul.f32 v3, v4;
	v3 =	vld.idx.msk [tilespmem:v2+s2+$0x0], $0xffff  }
0xb3: {  	s26 =	sand.u32 $0x1FF00, s31;
	v2 =	vld [tilespmem:s25+$0x9D00];
	s25 =	sand.u32 $0x70, s30  }
0xb4: {  	[tilespmem:v39+s17+$0x0] =	vst.idx.add.f32.msk $0xffff, v4;
	s25 =	sor.u32 s25, s26;
	v35 =	vpop (erf)  }
0xb5: {  	v39 =	vadd.s32 $0x2710, v36;
	v38 =	vld [tilespmem:s25+$0x9C80];
	v5 =	vmul.f32 v35, v34  }
0xb6: {  	[tilespmem:v27+s16+$0x0] =	vst.idx.add.f32.msk $0xffff, v35  }
0xb7: {  	[tilespmem:v27+s17+$0x0] =	vst.idx.add.f32.msk $0xffff, v5  }
0xb8: {  	s29 =	sadd.s32 $0x240, s23;
	s28 =	sadd.s32 $0x2B0, s24;
	v37 =	vpop (erf);
	v5 =	vld [tilespmem:s25+$0x9D00]  }
0xb9: {  	s26 =	sand.u32 $0x1FF00, s29;
	s25 =	sand.u32 $0x70, s28;
	[tilespmem:v52+s16+$0x0] =	vst.idx.add.f32.msk $0xffff, v37  }
0xba: {  	v3 =	vmul.f32 v37, v3;
	s25 =	sor.u32 s25, s26;
	v42 =	vld.idx.msk [tilespmem:v39+s2+$0x0], $0xffff  }
0xbb: {  	v41 =	vld [tilespmem:s25+$0x9C80]  }
0xbc: {  	s31 =	sadd.s32 $0x260, s23;
	s30 =	sadd.s32 $0x2C0, s24;
	v43 =	vadd.s32 $0x2710, v38;
	[tilespmem:v52+s17+$0x0] =	vst.idx.add.f32.msk $0xffff, v3  }
0xbd: {  	s26 =	sand.u32 $0x1FF00, s31;
	v3 =	vld [tilespmem:s25+$0x9D00];
	s25 =	sand.u32 $0x70, s30  }
0xbe: {  	v40 =	vld.idx.msk [tilespmem:v2+s2+$0x0], $0xffff;
	s25 =	sor.u32 s25, s26  }
0xbf: {  	s29 =	sadd.s32 $0x280, s23;
	s28 =	sadd.s32 $0x2D0, s24;
	v44 =	vld [tilespmem:s25+$0x9C80]  }
0xc0: {  	s26 =	sand.u32 $0x1FF00, s29;
	v6 =	vld [tilespmem:s25+$0x9D00];
	s25 =	sand.u32 $0x70, s28  }
0xc1: {  	s25 =	sor.u32 s25, s26;
	v47 =	vld.idx.msk [tilespmem:v43+s2+$0x0], $0xffff  }
0xc2: {  	s31 =	sadd.s32 $0x2A0, s23;
	s30 =	sadd.s32 $0x2E0, s24;
	v4 =	vld [tilespmem:s25+$0x9D00]  }
0xc3: {  	s26 =	sand.u32 $0x1FF00, s31;
	v48 =	vld [tilespmem:s25+$0x9C80];
	s25 =	sand.u32 $0x70, s30  }
0xc4: {  	v45 =	vld.idx.msk [tilespmem:v5+s2+$0x0], $0xffff;
	s25 =	sor.u32 s25, s26  }
0xc5: {  	s28 =	sadd.s32 $0x2C0, s23;
	v46 =	vadd.s32 $0x2710, v41;
	s26 =	sadd.s32 $0x2F0, s24;
	v7 =	vld [tilespmem:s25+$0x9D00]  }
0xc6: {  	v54 =	vld [tilespmem:s25+$0x9C80];
	s25 =	sand.u32 $0x70, s26;
	s26 =	sand.u32 $0x1FF00, s28  }
0xc7: {  	s25 =	sor.u32 s25, s26;
	v49 =	vld.idx.msk [tilespmem:v3+s2+$0x0], $0xffff  }
0xc8: {  	v57 =	vld [tilespmem:s25+$0x9C80]  }
0xc9: {  	s29 =	sadd.s32 $0x300, s24;
	s30 =	sadd.s32 $0x2E0, s23;
	v15 =	vld [tilespmem:s25+$0x9D00]  }
0xca: {  	v50 =	vadd.s32 $0x2710, v44;
	s26 =	sand.u32 $0x1FF00, s30;
	s25 =	sand.u32 $0x70, s29;
	v51 =	vld.idx.msk [tilespmem:v46+s2+$0x0], $0xffff  }
0xcb: {  	s31 =	sadd.s32 $0x300, s23;
	s24 =	sadd.s32 $0x310, s24;
	s25 =	sor.u32 s25, s26;
	v52 =	vld.idx.msk [tilespmem:v6+s2+$0x0], $0xffff  }
0xcc: {  	s24 =	sand.u32 $0x70, s24;
	s26 =	sand.u32 $0x1FF00, s31;
	v61 =	vld [tilespmem:s25+$0x9C80]  }
0xcd: {  	v9 =	vadd.f32 v42, v40;
	v53 =	vadd.s32 $0x2710, v48;
	v20 =	vld [tilespmem:s25+$0x9D00];
	s24 =	sor.u32 s24, s26  }
0xce: {  	v8 =	vadd.s32 $0x4E20, v38;
	v14 =	vadd.f32 v47, v45;
	v32 =	vld [tilespmem:s24+$0x9C80]  }
0xcf: {  	v55 =	vmul.f32 $2.000000030e-01, v9;
	v18 =	vld.idx.msk [tilespmem:v50+s2+$0x0], $0xffff  }
0xd0: {  	vm7 =	vge.f32 v9, $0.0e+00;
	v60 =	vadd.s32 $0x2710, v54;
	v34 =	vld [tilespmem:s24+$0x9D00];
	v58 =	vmul.f32 $2.000000030e-01, v14  }
0xd1: {  	v9 =	vsel vm7, v9, v55;
	v56 =	vld.idx.msk [tilespmem:v4+s2+$0x0], $0xffff;
	vm8 =	vge.f32 v14, $0.0e+00;
	v17 =	vadd.f32 v51, v49  }
0xd2: {  	v9 =	vmul.f32 $1.442695020e+00, v9;
	v63 =	vadd.s32 $0x2710, v57;
	v11 =	vld.idx.msk [tilespmem:v53+s2+$0x0], $0xffff;
	v14 =	vsel vm8, v14, v58  }
0xd3: {  	v8 =	vld.idx.msk [tilespmem:v8+s2+$0x0], $0xffff;
	v14 =	vmul.f32 $1.442695020e+00, v14;
	v62 =	vmul.f32 $2.000000030e-01, v17  }
0xd4: {  	(erf) = vpow2.f32 v9;
	v59 =	vld.idx.msk [tilespmem:v7+s2+$0x0], $0xffff;
	vm9 =	vge.f32 v17, $0.0e+00;
	v18 =	vadd.f32 v18, v52  }
0xd5: {  	v36 =	vadd.s32 $0x2710, v61;
	v25 =	vld.idx.msk [tilespmem:v60+s2+$0x0], $0xffff;
	(erf) = vpow2.f32 v14;
	v17 =	vsel vm9, v17, v62  }
0xd6: {  	v37 =	vld.idx.msk [tilespmem:v15+s2+$0x0], $0xffff;
	v39 =	vadd.s32 $0x2710, v32;
	v33 =	vmul.f32 $2.000000030e-01, v18;
	v17 =	vmul.f32 $1.442695020e+00, v17  }
0xd7: {  	v10 =	vadd.s32 $0x4E20, v41;
	v38 =	vld.idx.msk [tilespmem:v63+s2+$0x0], $0xffff;
	vm10 =	vge.f32 v18, $0.0e+00;
	v11 =	vadd.f32 v11, v56  }
0xd8: {  	v13 =	vadd.s32 $0x4E20, v44;
	v41 =	vld.idx.msk [tilespmem:v20+s2+$0x0], $0xffff;
	v35 =	vsel vm10, v18, v33;
	(erf) = vpow2.f32 v17  }
0xd9: {  	v16 =	vadd.s32 $0x4E20, v48;
	v44 =	vld.idx.msk [tilespmem:v34+s2+$0x0], $0xffff;
	v40 =	vmul.f32 $2.000000030e-01, v11;
	v14 =	vmul.f32 $1.442695020e+00, v35  }
0xda: {  	v42 =	vld.idx.msk [tilespmem:v36+s2+$0x0], $0xffff;
	vm11 =	vge.f32 v11, $0.0e+00;
	v19 =	vadd.f32 v25, v59  }
0xdb: {  	v23 =	vld.idx.msk [tilespmem:v39+s2+$0x0], $0xffff;
	v11 =	vsel vm11, v11, v40;
	(erf) = vpow2.f32 v14  }
0xdc: {  	v10 =	vld.idx.msk [tilespmem:v10+s2+$0x0], $0xffff;
	v43 =	vmul.f32 $2.000000030e-01, v19;
	v11 =	vmul.f32 $1.442695020e+00, v11  }
0xdd: {  	v54 =	vadd.s32 $0x4E20, v54;
	v13 =	vld.idx.msk [tilespmem:v13+s2+$0x0], $0xffff;
	v45 =	vpop (erf);
	v17 =	vadd.f32 v38, v37;
	vm12 =	vge.f32 v19, $0.0e+00  }
0xde: {  	v55 =	vld.idx.msk [tilespmem:v16+s2+$0x0], $0xffff;
	v12 =	vmul.f32 v45, v12;
	v18 =	vsel vm12, v19, v43;
	(erf) = vpow2.f32 v11  }
0xdf: {  	[tilespmem:v2+s16+$0x0] =	vst.idx.add.f32.msk $0xffff, v45;
	v47 =	vmul.f32 $2.000000030e-01, v17;
	v48 =	vadd.f32 v42, v41;
	v46 =	vpop (erf);
	v18 =	vmul.f32 $1.442695020e+00, v18  }
0xe0: {  	[tilespmem:v2+s17+$0x0] =	vst.idx.add.f32.msk $0xffff, v12;
	vm13 =	vge.f32 v17, $0.0e+00;
	v52 =	vadd.f32 v23, v44;
	v2 =	vmul.f32 v46, v8  }
0xe1: {  	[tilespmem:v5+s16+$0x0] =	vst.idx.add.f32.msk $0xffff, v46;
	v50 =	vsel vm13, v17, v47;
	v14 =	vmul.f32 $2.000000030e-01, v48;
	(erf) = vpow2.f32 v18;
	v49 =	vpop (erf)  }
0xe2: {  	vm14 =	vge.f32 v48, $0.0e+00;
	v51 =	vmul.f32 $1.442695020e+00, v50;
	[tilespmem:v5+s17+$0x0] =	vst.idx.add.f32.msk $0xffff, v2;
	v10 =	vmul.f32 v49, v10  }
0xe3: {  	v56 =	vmul.f32 $2.000000030e-01, v52;
	vm15 =	vge.f32 v52, $0.0e+00;
	v8 =	vsel vm14, v48, v14;
	[tilespmem:v3+s16+$0x0] =	vst.idx.add.f32.msk $0xffff, v49  }
0xe4: {  	(erf) = vpow2.f32 v51;
	v8 =	vmul.f32 $1.442695020e+00, v8;
	v2 =	vpop (erf);
	[tilespmem:v3+s17+$0x0] =	vst.idx.add.f32.msk $0xffff, v10;
	v3 =	vadd.s32 $0x4E20, v57  }
0xe5: {  	v53 =	vmul.f32 v2, v13;
	[tilespmem:v6+s16+$0x0] =	vst.idx.add.f32.msk $0xffff, v2;
	v2 =	vsel vm15, v52, v56  }
0xe6: {  	v59 =	vld.idx.msk [tilespmem:v54+s2+$0x0], $0xffff;
	v57 =	vadd.s32 $0x4E20, v61;
	(erf) = vpow2.f32 v8;
	v2 =	vmul.f32 $1.442695020e+00, v2  }
0xe7: {  	v58 =	vpop (erf);
	[tilespmem:v6+s17+$0x0] =	vst.idx.add.f32.msk $0xffff, v53  }
0xe8: {  	[tilespmem:v4+s16+$0x0] =	vst.idx.add.f32.msk $0xffff, v58;
	v6 =	vmul.f32 v58, v55;
	(erf) = vpow2.f32 v2;
	v2 =	vadd.s32 $0x4E20, v32  }
0xe9: {  	v3 =	vld.idx.msk [tilespmem:v3+s2+$0x0], $0xffff  }
0xea: {  	[tilespmem:v4+s17+$0x0] =	vst.idx.add.f32.msk $0xffff, v6  }
0xeb: {  	v60 =	vpop (erf);
	v5 =	vld.idx.msk [tilespmem:v57+s2+$0x0], $0xffff  }
0xec: {  	[tilespmem:v7+s16+$0x0] =	vst.idx.add.f32.msk $0xffff, v60;
	v4 =	vmul.f32 v60, v59  }
0xed: {  	v61 =	vpop (erf);
	v2 =	vld.idx.msk [tilespmem:v2+s2+$0x0], $0xffff  }
0xee: {  	s22 =	sadd.s32 $0x190, s22;
	[tilespmem:v7+s17+$0x0] =	vst.idx.add.f32.msk $0xffff, v4;
	v3 =	vmul.f32 v61, v3  }
0xef: {  	p0 =	slt.u32 s22, $0x2580;
	[tilespmem:v15+s16+$0x0] =	vst.idx.add.f32.msk $0xffff, v61;
	v62 =	vpop (erf)  }
.Ltmp1:
0xf0: {  	[tilespmem:v15+s17+$0x0] =	vst.idx.add.f32.msk $0xffff, v3;
	v3 =	vmul.f32 v62, v5;
	(pc) =	sbr.rel @p0 .LBB2_4-.Ltmp1, $4  }
0xf1: {  	[tilespmem:v20+s16+$0x0] =	vst.idx.add.f32.msk $0xffff, v62;
	v63 =	vpop (erf)  }
0xf2: {  	[tilespmem:v20+s17+$0x0] =	vst.idx.add.f32.msk $0xffff, v3;
	v2 =	vmul.f32 v63, v2  }
0xf3: {  	[tilespmem:v34+s16+$0x0] =	vst.idx.add.f32.msk $0xffff, v63  }
0xf4: {  	s23 =	sadd.s32 $0x320, s23;
	[tilespmem:v34+s17+$0x0] =	vst.idx.add.f32.msk $0xffff, v2  }
0xf5: {  	p1 =	sne.s32 s4, $0x1  }
.Ltmp2:
0xf6: {  	_ = 	snop;
	(pc) =	sbr.rel @!p1 .LBB2_6-.Ltmp2, $3  }
0xf7: {  	_ =	sdelay $0x1  }
0xf8: {  	v2 =	vor.u32 $0x2710, v1  }
0xf9: {  	s23 =	sadd.s32 $0xFFFFFFFF, s4;
	v4 =	vor.u32 s12, v1;
	p0 =	por $0x0, $0x0;
	v5 =	vadd.s32 s12, v2  }
0xfa: {  	_ =	sdelay $0x3  }
0xfb: {  	v3 =	vld.idx.msk [tilespmem:v4+s2+$0x0], $0xffff  }
0xfc: {  	v4 =	vld.idx.msk [tilespmem:v5+s2+$0x0], $0xffff;
	_ =	sdelay $0x4  }
0xfd: {  	v3 =	vadd.f32 v4, v3;
	_ =	sdelay $0x1  }
0xfe: {  	v4 =	vmul.f32 $2.000000030e-01, v3  }
0xff: {  	vm0 =	vge.f32 v3, $0.0e+00  }
0x100: {  	v3 =	vsel vm0, v3, v4  }
0x101: {  	v3 =	vmul.f32 $1.442695020e+00, v3;
	_ =	sdelay $0x1  }
0x102: {  	(erf) = vpow2.f32 v3;
	_ =	sdelay $0x4  }
0x103: {  	v4 =	vld [tilespmem:s10+$0x0];
	v3 =	vor.u32 $0x4E20, v1  }
0x104: {  	v5 =	vadd.s32 s12, v3;
	_ =	sdelay $0x2  }
0x105: {  	v6 =	vpop (erf)  }
0x106: {  	v4 =	vadd.f32 v6, v4  }
0x107: {  	v5 =	vld.idx.msk [tilespmem:v5+s2+$0x0], $0xffff  }
0x108: {  	[tilespmem:s10+$0x0] =	vst v4  }
0x109: {  	p1 =	sne.s32 s23, $0x1;
	v7 =	vld [tilespmem:s11+$0x0]  }
.Ltmp3:
0x10a: {  	_ = 	snop;
	(pc) =	sbr.rel @!p1 .LBB2_8-.Ltmp3, $4  }
0x10b: {  	s22 =	sadd.s32 $0x10, s12  }
0x10c: {  	v6 =	vmul.f32 v6, v5;
	v4 =	vor.u32 s22, v1  }
0x10d: {  	s25 =	sadd.s32 $0xFFFFFFFF, s23;
	v5 =	vadd.s32 s22, v2  }
0x10e: {  	p0 =	por $0x1, $0x1;
	s23 =	smov.u32 s11;
	s24 =	smov.u32 s10;
	v6 =	vadd.f32 v6, v7  }
.LBB2_9:
0x10f: {  	_ = 	snop  }
0x110: {  	p1 =	sne.s32 s25, $0x1;
	s24 =	sadd.s32 $0x10, s24;
	[tilespmem:s23+$0x0] =	vst v6;
	s23 =	sadd.s32 $0x10, s23  }
0x111: {  	s25 =	sadd.s32 $0xFFFFFFFF, s25;
	v4 =	vld.idx.msk [tilespmem:v4+s2+$0x0], $0xffff  }
0x112: {  	v5 =	vld.idx.msk [tilespmem:v5+s2+$0x0], $0xffff;
	_ =	sdelay $0x5  }
0x113: {  	v4 =	vadd.f32 v5, v4;
	_ =	sdelay $0x1  }
0x114: {  	v5 =	vmul.f32 $2.000000030e-01, v4  }
0x115: {  	vm0 =	vge.f32 v4, $0.0e+00  }
0x116: {  	v4 =	vsel vm0, v4, v5  }
0x117: {  	v4 =	vmul.f32 $1.442695020e+00, v4;
	_ =	sdelay $0x1  }
0x118: {  	(erf) = vpow2.f32 v4;
	_ =	sdelay $0x4  }
0x119: {  	v4 =	vadd.s32 s22, v3;
	v5 =	vld [tilespmem:s24+$0x0];
	_ =	sdelay $0x3  }
0x11a: {  	v6 =	vpop (erf)  }
0x11b: {  	v7 =	vld.idx.msk [tilespmem:v4+s2+$0x0], $0xffff;
	v4 =	vadd.f32 v6, v5;
	_ =	sdelay $0x1  }
0x11c: {  	[tilespmem:s24+$0x0] =	vst v4  }
0x11d: {  	v8 =	vld [tilespmem:s23+$0x0]  }
.Ltmp4:
0x11e: {  	(pc) =	sbr.rel @p1 .LBB2_9-.Ltmp4, $4  }
0x11f: {  	s22 =	sadd.s32 $0x10, s22  }
0x120: {  	v4 =	vor.u32 s22, v1;
	v6 =	vmul.f32 v6, v7  }
0x121: {  	v5 =	vadd.s32 s22, v2  }
0x122: {  	v6 =	vadd.f32 v6, v8  }
.LBB2_10:
0x123: {  	_ =	sdelay $0x2  }
0x124: {  	[tilespmem:s23+$0x0] =	vst @p0 v6  }
0x125: {  	v2 =	vld.idx.msk [tilespmem:v4+s2+$0x0], $0xffff  }
0x126: {  	v3 =	vld.idx.msk [tilespmem:v5+s2+$0x0], $0xffff;
	_ =	sdelay $0x4  }
0x127: {  	v2 =	vadd.f32 v3, v2;
	_ =	sdelay $0x1  }
0x128: {  	v3 =	vmul.f32 $2.000000030e-01, v2  }
0x129: {  	vm0 =	vge.f32 v2, $0.0e+00  }
0x12a: {  	v2 =	vsel vm0, v2, v3  }
0x12b: {  	v2 =	vmul.f32 $1.442695020e+00, v2;
	_ =	sdelay $0x1  }
0x12c: {  	(erf) = vpow2.f32 v2;
	_ =	sdelay $0x2  }
0x12d: {  	s24 =	sadd.s32 @p0 $0x10, s24;
	s25 =	smov.u32 s10  }
0x12e: {  	s25 =	smov.u32 @p0 s24  }
0x12f: {  	v3 =	vld [tilespmem:s25+$0x0];
	v2 =	vor.u32 $0x4E20, v1  }
0x130: {  	v2 =	vadd.s32 s22, v2;
	_ =	sdelay $0x2  }
0x131: {  	v63 =	vpop (erf)  }
0x132: {  	v3 =	vadd.f32 v63, v3  }
0x133: {  	s22 =	sadd.s32 @p0 $0x10, s23;
	s23 =	smov.u32 s11;
	v2 =	vld.idx.msk [tilespmem:v2+s2+$0x0], $0xffff  }
0x134: {  	s23 =	smov.u32 @p0 s22;
	[tilespmem:s25+$0x0] =	vst v3  }
0x135: {  	v3 =	vld [tilespmem:s23+$0x0];
	_ =	sdelay $0x2  }
0x136: {  	v2 =	vmul.f32 v63, v2;
	_ =	sdelay $0x1  }
0x137: {  	v2 =	vadd.f32 v2, v3;
	_ =	sdelay $0x1  }
0x138: {  	[tilespmem:s23+$0x0] =	vst v2  }
0x139: {  	[hbm4b:s6+s18] =	stream.strided.scatter [tilespmem:s17], [sflag:$0x3], $0x2800, s19, s18, $0x38;
	[tilespmem:$0x13B80] =	vst v63  }
0x13a: {  	_ =	swait.ge [sflag:s20], $0x2800  }
0x13b: {  	s21 =	sadd.s32 $0x1, s21;
	[sflag:s20] =	ssyncset.done $0x0  }
0x13c: {  	p0 =	sne.s32 s21, s8;
	[sflag:s20] =	ssyncadd.s32 $0xFFFFD800  }
0x13d: {  	[hbm4b:s7+s18] =	stream.strided.scatter [tilespmem:s16], [sflag:$0x3], $0x2800, s19, s18, $0x38;
	[tilespmem:$0x13B80] =	vst v63  }
.Ltmp5:
0x13e: {  	_ = 	snop;
	(pc) =	sbr.rel @p0 .LBB2_1-.Ltmp5, $4  }
.Ltmp6:
0x13f: {  	_ = 	snop;
	(pc) =	sbr.rel @!p0 .LBB2_11-.Ltmp6, $4  }
0x140: {  	_ =	swait.ge [sflag:s20], $0x2800  }
0x141: {  	[sflag:s20] =	ssyncset.done $0x0  }
0x142: {  	[sflag:s20] =	ssyncadd.s32 $0xFFFFD800  }
0x143: {  	_ = 	snop  }
.LBB2_6:
.Ltmp7:
0x144: {  	(pc) =	sbr.rel .LBB2_10-.Ltmp7, $2  }
0x145: {  	_ =	sdelay $0x2  }
0x146: {  	s23 =	smov.u32 s11;
	s24 =	smov.u32 s10;
	s22 =	smov.u32 s12  }
.LBB2_8:
.Ltmp8:
0x147: {  	(pc) =	sbr.rel .LBB2_10-.Ltmp8, $2  }
0x148: {  	_ =	sdelay $0x2  }
0x149: {  	s23 =	smov.u32 s11;
	s24 =	smov.u32 s10  }
.LBB2_11:
0x14a: {  	_ =	sfence.sel $0x180000  }
0x14b: {  	[bflag:$0x0] =	sbarrier.arrive $0xFFFF  }
0x14c: {  	p0 =	sne.s32 s0, $0x0;
	_ =	strace $0x90000047  }
0x14d: {  	s0 =	sadd.s32 @!p0 $0x100000, s1;
	[bflag:$0x2] =	sbarrier.arrive $0xFFFF  }
0x14e: {  	[sflag:s0] =	ssyncadd.tile.s32 @!p0 $0x1;
	_ =	shalt  }
.Lfunc_end2:
_tile_overlayer_lowered:
.L_overlay_start_2:
0x14f: {  	(tag) =	ssettag $0x2  }
0x150: {  	s0 =	rddreg [dreg:$0x0];
	s2 =	stileid.u32  }
0x151: {  	s1 =	rddreg [dreg:$0x1];
	p0 =	sne.s32 s2, $0x0  }
0x152: {  	s3 =	rddreg [dreg:$0x2];
	[bflag:$0x3] =	sbarrier.arrive $0xFFFF;
	s2 =	simm.s32 @!p0 $0x1C03  }
0x153: {  	[timem:s3], [sflag:s2] =	dma.local @!p0 [hbm:s0], s1  }
0x154: {  	s0 =	simm.s32 @!p0 $0x3  }
0x155: {  	_ =	swait.ge @!p0 [sflag:s0], s1  }
0x156: {  	s1 =	ssub.s32 @!p0 $0x0, s1;
	[sflag:s0] =	ssyncset.done @!p0 $0x0  }
0x157: {  	[sflag:s0] =	ssyncadd.s32 @!p0 s1  }
0x158: {  	[bflag:$0x3] =	sbarrier.arrive $0xFFFF  }
0x159: {  	_ =	shalt  }

</sc_bundles>
